<compile_context>
chip_gen: v7x
topology: tpu7x:2x2x1
jax: 0.10.2.dev20260603
libtpu: 0.0.44.dev20260713+nightly
codegen_flags: <defaults>
</compile_context>

<pallas_src>
import math

import jax
import jax.numpy as jnp
from jax.experimental import pallas as pl


def _dot(a, b):
    return jnp.dot(a, b, preferred_element_type=jnp.float32)


def _mlp_body(xin_ref, noise_ref,
              mw1, mb1, mg, mbe, mw2, mb2,
              sw1, sb1, sgg, sbe, sw2, sb2,
              z_ref):
    xm = xin_ref[...]

    def mlp(W1, b1, g, beta, W2, b2):
        h = _dot(xm, W1[...]) + b1[...]
        m = jnp.mean(h, axis=-1, keepdims=True)
        v = jnp.mean((h - m) ** 2, axis=-1, keepdims=True)
        h = (h - m) * jax.lax.rsqrt(v + 1e-5) * g[...] + beta[...]
        h = 0.5 * h * (1.0 + jax.lax.erf(h * (1.0 / math.sqrt(2.0))))
        return _dot(h, W2[...]) + b2[...]

    mu = mlp(mw1, mb1, mg, mbe, mw2, mb2)
    sg = mlp(sw1, sb1, sgg, sbe, sw2, sb2)
    z_ref[...] = mu + noise_ref[...] * sg


def kernel(x, mu_W1, mu_b1, mu_g, mu_beta, mu_W2, mu_b2,
           sg_W1, sg_b1, sg_g, sg_beta, sg_W2, sg_b2, noise, curr_indices):
    B, S, N = x.shape
    T = B * S
    K = curr_indices.shape[0]
    K2 = 2 * K
    H = mu_W1.shape[1]

    x_freq = jnp.fft.rfft(x, axis=-1)
    x_sel = jnp.take(x_freq, curr_indices, axis=-1)
    x_mlp_in = jnp.concatenate([jnp.real(x_sel), jnp.imag(x_sel)], axis=-1)

    xin2 = x_mlp_in.reshape(T, K2)
    noise2 = noise.reshape(T, K2)

    TT = 512
    grid = (T // TT,)

    def tok(i):
        return (i, 0)

    def rep(i):
        return (0, 0)

    full = lambda shape: pl.BlockSpec(shape, rep)

    z = pl.pallas_call(
        _mlp_body,
        grid=grid,
        in_specs=[
            pl.BlockSpec((TT, K2), tok),
            pl.BlockSpec((TT, K2), tok),
            full((K2, H)), full((1, H)), full((1, H)), full((1, H)),
            full((H, K2)), full((1, K2)),
            full((K2, H)), full((1, H)), full((1, H)), full((1, H)),
            full((H, K2)), full((1, K2)),
        ],
        out_specs=pl.BlockSpec((TT, K2), tok),
        out_shape=jax.ShapeDtypeStruct((T, K2), jnp.float32),
    )(xin2, noise2,
      mu_W1, mu_b1.reshape(1, H), mu_g.reshape(1, H), mu_beta.reshape(1, H),
      mu_W2, mu_b2.reshape(1, K2),
      sg_W1, sg_b1.reshape(1, H), sg_g.reshape(1, H), sg_beta.reshape(1, H),
      sg_W2, sg_b2.reshape(1, K2))

    z = z.reshape(B, S, K2)
    z_complex = jax.lax.complex(z[..., :K], z[..., K:])
    total = jnp.zeros(x_freq.shape, dtype=jnp.complex64)
    total = total.at[..., curr_indices].add(z_complex)
    out = jnp.fft.irfft(total, n=N, axis=-1)
    return out.astype(jnp.float32)

# --- scband reference (transcript-rebuilt; emitter-appended) ---
"""Pipeline reference for scband-pi-noise-bi-lo-ra-38809324487169 (READ-ONLY COPY).

The authoritative reference and input builder live on the scoring server;
editing this copy changes nothing except your own understanding.
"""

import jax, jax.numpy as jnp
import numpy as np
import math

IN_DIM = 4096
SPARSITY = 0.1
HIDDEN = 256
FREQ_DIM = IN_DIM // 2 + 1  # 2049
K = max(1, int(FREQ_DIM * SPARSITY))  # 204
MLP_IN = 2 * K  # 408
MAX_TASKS = 20


def _spectral_mask(task_id=0):
    available = np.arange(1, FREQ_DIM)
    idx = available[task_id % MAX_TASKS::MAX_TASKS]
    if len(idx) >= K:
        idx = idx[:K]
    else:
        needed = K - len(idx)
        rep = math.ceil(needed / len(idx))
        pad = np.tile(idx, rep)[:needed]
        idx = np.concatenate([idx, pad])
    return jnp.asarray(idx, dtype=jnp.int32)


def setup_inputs(seed: int = 0) -> dict:
    key = jax.random.key(seed)
    ks = jax.random.split(key, 16)
    x = jax.random.normal(ks[0], (2, 2048, IN_DIM), dtype=jnp.float32)
    s1 = 1.0 / math.sqrt(MLP_IN)
    s2 = 1.0 / math.sqrt(HIDDEN)
    inp = {
        'x': x,
        'mu_W1': jax.random.normal(ks[1], (MLP_IN, HIDDEN), jnp.float32) * s1,
        'mu_b1': jnp.zeros((HIDDEN,), jnp.float32),
        'mu_g': jnp.ones((HIDDEN,), jnp.float32),
        'mu_beta': jnp.zeros((HIDDEN,), jnp.float32),
        'mu_W2': jax.random.normal(ks[2], (HIDDEN, MLP_IN), jnp.float32) * s2,
        'mu_b2': jnp.zeros((MLP_IN,), jnp.float32),
        'sg_W1': jax.random.normal(ks[3], (MLP_IN, HIDDEN), jnp.float32) * s1,
        'sg_b1': jnp.zeros((HIDDEN,), jnp.float32),
        'sg_g': jnp.ones((HIDDEN,), jnp.float32),
        'sg_beta': jnp.zeros((HIDDEN,), jnp.float32),
        'sg_W2': jax.random.normal(ks[4], (HIDDEN, MLP_IN), jnp.float32) * s2,
        'sg_b2': jnp.zeros((MLP_IN,), jnp.float32),
        'noise': jax.random.normal(ks[5], (2, 2048, MLP_IN), jnp.float32),
        'curr_indices': _spectral_mask(0),
    }
    return inp


def _mlp(xin, W1, b1, g, beta, W2, b2):
    h = xin @ W1 + b1
    m = jnp.mean(h, axis=-1, keepdims=True)
    v = jnp.mean((h - m) ** 2, axis=-1, keepdims=True)
    h = (h - m) / jnp.sqrt(v + 1e-5) * g + beta
    h = jax.nn.gelu(h, approximate=False)
    return h @ W2 + b2


def reference(x, mu_W1, mu_b1, mu_g, mu_beta, mu_W2, mu_b2,
              sg_W1, sg_b1, sg_g, sg_beta, sg_W2, sg_b2, noise, curr_indices):
    # Training-branch forward of PiNoiseBiLoRA with one registered task (task_id=0).
    x_freq = jnp.fft.rfft(x, axis=-1)  # complex64, [..., FREQ_DIM]
    x_sel = jnp.take(x_freq, curr_indices, axis=-1)  # gather on freq axis
    x_mlp_in = jnp.concatenate([jnp.real(x_sel), jnp.imag(x_sel)], axis=-1)
    mu = _mlp(x_mlp_in, mu_W1, mu_b1, mu_g, mu_beta, mu_W2, mu_b2)
    sigma = _mlp(x_mlp_in, sg_W1, sg_b1, sg_g, sg_beta, sg_W2, sg_b2)
    z = mu + noise * sigma
    z_complex = jax.lax.complex(z[..., :K], z[..., K:])
    total = jnp.zeros(x_freq.shape, dtype=jnp.complex64)
    total = total.at[..., curr_indices].add(z_complex)  # scatter-add (duplicate idx accumulate, matching index_add_)
    out = jnp.fft.irfft(total, n=IN_DIM, axis=-1)
    return out.astype(jnp.float32)

if __name__ == "__main__":
    import jax
    _d = setup_inputs()
    print(jax.jit(kernel)(*tuple(_d.values())))

</pallas_src>

<mosaic_0001>
module attributes {stable_mosaic.version = 14 : i64} {
  func.func @_mlp_body(%arg0: i32, %arg1: memref<512x408xf32, #tpu.memory_space<vmem>>, %arg2: memref<512x408xf32, #tpu.memory_space<vmem>>, %arg3: memref<408x256xf32, #tpu.memory_space<vmem>>, %arg4: memref<1x256xf32, #tpu.memory_space<vmem>>, %arg5: memref<1x256xf32, #tpu.memory_space<vmem>>, %arg6: memref<1x256xf32, #tpu.memory_space<vmem>>, %arg7: memref<256x408xf32, #tpu.memory_space<vmem>>, %arg8: memref<1x408xf32, #tpu.memory_space<vmem>>, %arg9: memref<408x256xf32, #tpu.memory_space<vmem>>, %arg10: memref<1x256xf32, #tpu.memory_space<vmem>>, %arg11: memref<1x256xf32, #tpu.memory_space<vmem>>, %arg12: memref<1x256xf32, #tpu.memory_space<vmem>>, %arg13: memref<256x408xf32, #tpu.memory_space<vmem>>, %arg14: memref<1x408xf32, #tpu.memory_space<vmem>>, %arg15: memref<512x408xf32, #tpu.memory_space<vmem>>) attributes {dimension_semantics = [#tpu.dimension_semantics<arbitrary>], iteration_bounds = array<i64: 8>, scalar_prefetch = 0 : i64, scratch_operands = 0 : i64, tpu.core_type = #tpu.core_type<tc>, window_params = [{transform_indices = @transform_0, window_bounds = array<i64: 512, 408>}, {transform_indices = @transform_1, window_bounds = array<i64: 512, 408>}, {pipeline_mode = #tpu.pipeline_mode<synchronous>, transform_indices = @transform_2, window_bounds = array<i64: 408, 256>}, {pipeline_mode = #tpu.pipeline_mode<synchronous>, transform_indices = @transform_3, window_bounds = array<i64: 1, 256>}, {pipeline_mode = #tpu.pipeline_mode<synchronous>, transform_indices = @transform_4, window_bounds = array<i64: 1, 256>}, {pipeline_mode = #tpu.pipeline_mode<synchronous>, transform_indices = @transform_5, window_bounds = array<i64: 1, 256>}, {pipeline_mode = #tpu.pipeline_mode<synchronous>, transform_indices = @transform_6, window_bounds = array<i64: 256, 408>}, {pipeline_mode = #tpu.pipeline_mode<synchronous>, transform_indices = @transform_7, window_bounds = array<i64: 1, 408>}, {pipeline_mode = #tpu.pipeline_mode<synchronous>, transform_indices = @transform_8, window_bounds = array<i64: 408, 256>}, {pipeline_mode = #tpu.pipeline_mode<synchronous>, transform_indices = @transform_9, window_bounds = array<i64: 1, 256>}, {pipeline_mode = #tpu.pipeline_mode<synchronous>, transform_indices = @transform_10, window_bounds = array<i64: 1, 256>}, {pipeline_mode = #tpu.pipeline_mode<synchronous>, transform_indices = @transform_11, window_bounds = array<i64: 1, 256>}, {pipeline_mode = #tpu.pipeline_mode<synchronous>, transform_indices = @transform_12, window_bounds = array<i64: 256, 408>}, {pipeline_mode = #tpu.pipeline_mode<synchronous>, transform_indices = @transform_13, window_bounds = array<i64: 1, 408>}, {transform_indices = @transform_14, window_bounds = array<i64: 512, 408>}]} {
    %get3A = arith.constant 0 : index
    %get3A_0 = arith.constant 0 : index
    %get3A_1 = vector.load %arg1[%get3A, %get3A_0] : memref<512x408xf32, #tpu.memory_space<vmem>>, vector<512x408xf32>
    %get3A_2 = arith.constant 0 : index
    %get3A_3 = arith.constant 0 : index
    %get3A_4 = vector.load %arg3[%get3A_2, %get3A_3] : memref<408x256xf32, #tpu.memory_space<vmem>>, vector<408x256xf32>
    %dot_general3A = arith.constant dense<0.000000e+00> : vector<512x256xf32>
    %dot_general3A_5 = tpu.matmul %get3A_1, %get3A_4, %dot_general3A {dimension_numbers = #tpu.dot_dimension_numbers<[1], [0], [0], [1], [0, 0, 1, 1], [], []>, transpose_lhs_hint = false} : vector<512x408xf32>, vector<408x256xf32>, vector<512x256xf32> -> vector<512x256xf32>
    %get3A_6 = arith.constant 0 : index
    %get3A_7 = arith.constant 0 : index
    %get3A_8 = vector.load %arg4[%get3A_6, %get3A_7] : memref<1x256xf32, #tpu.memory_space<vmem>>, vector<1x256xf32>
    %add3A = vector.broadcast %get3A_8 : vector<1x256xf32> to vector<512x256xf32>
    %add3A_9 = arith.addf %dot_general3A_5, %add3A : vector<512x256xf32>
    %reduce_sum3A = arith.constant dense<0.000000e+00> : vector<512xf32>
    %reduce_sum3A_10 = vector.multi_reduction <add>, %add3A_9, %reduce_sum3A [1] : vector<512x256xf32> to vector<512xf32>
    %broadcast_in_dim3A = vector.shape_cast %reduce_sum3A_10 : vector<512xf32> to vector<512x1xf32>
    %div3A = arith.constant 2.560000e+02 : f32
    %div3A_11 = vector.broadcast %div3A : f32 to vector<512x1xf32>
    %div3A_12 = arith.divf %broadcast_in_dim3A, %div3A_11 : vector<512x1xf32>
    %sub3A = vector.broadcast %div3A_12 : vector<512x1xf32> to vector<512x256xf32>
    %sub3A_13 = arith.subf %add3A_9, %sub3A : vector<512x256xf32>
    %integer_pow3A = arith.mulf %sub3A_13, %sub3A_13 : vector<512x256xf32>
    %reduce_sum3A_14 = arith.constant dense<0.000000e+00> : vector<512xf32>
    %reduce_sum3A_15 = vector.multi_reduction <add>, %integer_pow3A, %reduce_sum3A_14 [1] : vector<512x256xf32> to vector<512xf32>
    %broadcast_in_dim3A_16 = vector.shape_cast %reduce_sum3A_15 : vector<512xf32> to vector<512x1xf32>
    %div3A_17 = arith.constant 2.560000e+02 : f32
    %div3A_18 = vector.broadcast %div3A_17 : f32 to vector<512x1xf32>
    %div3A_19 = arith.divf %broadcast_in_dim3A_16, %div3A_18 : vector<512x1xf32>
    %sub3A_20 = vector.broadcast %div3A_12 : vector<512x1xf32> to vector<512x256xf32>
    %sub3A_21 = arith.subf %add3A_9, %sub3A_20 : vector<512x256xf32>
    %add3A_22 = arith.constant 9.99999974E-6 : f32
    %add3A_23 = vector.broadcast %add3A_22 : f32 to vector<512x1xf32>
    %add3A_24 = arith.addf %div3A_19, %add3A_23 : vector<512x1xf32>
    %rsqrt3A = math.rsqrt %add3A_24 : vector<512x1xf32>
    %mul3A = vector.broadcast %rsqrt3A : vector<512x1xf32> to vector<512x256xf32>
    %mul3A_25 = arith.mulf %sub3A_21, %mul3A : vector<512x256xf32>
    %get3A_26 = arith.constant 0 : index
    %get3A_27 = arith.constant 0 : index
    %get3A_28 = vector.load %arg5[%get3A_26, %get3A_27] : memref<1x256xf32, #tpu.memory_space<vmem>>, vector<1x256xf32>
    %mul3A_29 = vector.broadcast %get3A_28 : vector<1x256xf32> to vector<512x256xf32>
    %mul3A_30 = arith.mulf %mul3A_25, %mul3A_29 : vector<512x256xf32>
    %get3A_31 = arith.constant 0 : index
    %get3A_32 = arith.constant 0 : index
    %get3A_33 = vector.load %arg6[%get3A_31, %get3A_32] : memref<1x256xf32, #tpu.memory_space<vmem>>, vector<1x256xf32>
    %add3A_34 = vector.broadcast %get3A_33 : vector<1x256xf32> to vector<512x256xf32>
    %add3A_35 = arith.addf %mul3A_30, %add3A_34 : vector<512x256xf32>
    %mul3A_36 = arith.constant 5.000000e-01 : f32
    %mul3A_37 = vector.broadcast %mul3A_36 : f32 to vector<512x256xf32>
    %mul3A_38 = arith.mulf %mul3A_37, %add3A_35 : vector<512x256xf32>
    %mul3A_39 = arith.constant 0.707106769 : f32
    %mul3A_40 = vector.broadcast %mul3A_39 : f32 to vector<512x256xf32>
    %mul3A_41 = arith.mulf %add3A_35, %mul3A_40 : vector<512x256xf32>
    %erf3A = math.erf %mul3A_41 : vector<512x256xf32>
    %add3A_42 = arith.constant 1.000000e+00 : f32
    %add3A_43 = vector.broadcast %add3A_42 : f32 to vector<512x256xf32>
    %add3A_44 = arith.addf %add3A_43, %erf3A : vector<512x256xf32>
    %mul3A_45 = arith.mulf %mul3A_38, %add3A_44 : vector<512x256xf32>
    %get3A_46 = arith.constant 0 : index
    %get3A_47 = arith.constant 0 : index
    %get3A_48 = vector.load %arg7[%get3A_46, %get3A_47] : memref<256x408xf32, #tpu.memory_space<vmem>>, vector<256x408xf32>
    %dot_general3A_49 = arith.constant dense<0.000000e+00> : vector<512x408xf32>
    %dot_general3A_50 = tpu.matmul %mul3A_45, %get3A_48, %dot_general3A_49 {dimension_numbers = #tpu.dot_dimension_numbers<[1], [0], [0], [1], [0, 0, 1, 1], [], []>, transpose_lhs_hint = false} : vector<512x256xf32>, vector<256x408xf32>, vector<512x408xf32> -> vector<512x408xf32>
    %get3A_51 = arith.constant 0 : index
    %get3A_52 = arith.constant 0 : index
    %get3A_53 = vector.load %arg8[%get3A_51, %get3A_52] : memref<1x408xf32, #tpu.memory_space<vmem>>, vector<1x408xf32>
    %add3A_54 = vector.broadcast %get3A_53 : vector<1x408xf32> to vector<512x408xf32>
    %add3A_55 = arith.addf %dot_general3A_50, %add3A_54 : vector<512x408xf32>
    %get3A_56 = arith.constant 0 : index
    %get3A_57 = arith.constant 0 : index
    %get3A_58 = vector.load %arg9[%get3A_56, %get3A_57] : memref<408x256xf32, #tpu.memory_space<vmem>>, vector<408x256xf32>
    %dot_general3A_59 = arith.constant dense<0.000000e+00> : vector<512x256xf32>
    %dot_general3A_60 = tpu.matmul %get3A_1, %get3A_58, %dot_general3A_59 {dimension_numbers = #tpu.dot_dimension_numbers<[1], [0], [0], [1], [0, 0, 1, 1], [], []>, transpose_lhs_hint = false} : vector<512x408xf32>, vector<408x256xf32>, vector<512x256xf32> -> vector<512x256xf32>
    %get3A_61 = arith.constant 0 : index
    %get3A_62 = arith.constant 0 : index
    %get3A_63 = vector.load %arg10[%get3A_61, %get3A_62] : memref<1x256xf32, #tpu.memory_space<vmem>>, vector<1x256xf32>
    %add3A_64 = vector.broadcast %get3A_63 : vector<1x256xf32> to vector<512x256xf32>
    %add3A_65 = arith.addf %dot_general3A_60, %add3A_64 : vector<512x256xf32>
    %reduce_sum3A_66 = arith.constant dense<0.000000e+00> : vector<512xf32>
    %reduce_sum3A_67 = vector.multi_reduction <add>, %add3A_65, %reduce_sum3A_66 [1] : vector<512x256xf32> to vector<512xf32>
    %broadcast_in_dim3A_68 = vector.shape_cast %reduce_sum3A_67 : vector<512xf32> to vector<512x1xf32>
    %div3A_69 = arith.constant 2.560000e+02 : f32
    %div3A_70 = vector.broadcast %div3A_69 : f32 to vector<512x1xf32>
    %div3A_71 = arith.divf %broadcast_in_dim3A_68, %div3A_70 : vector<512x1xf32>
    %sub3A_72 = vector.broadcast %div3A_71 : vector<512x1xf32> to vector<512x256xf32>
    %sub3A_73 = arith.subf %add3A_65, %sub3A_72 : vector<512x256xf32>
    %integer_pow3A_74 = arith.mulf %sub3A_73, %sub3A_73 : vector<512x256xf32>
    %reduce_sum3A_75 = arith.constant dense<0.000000e+00> : vector<512xf32>
    %reduce_sum3A_76 = vector.multi_reduction <add>, %integer_pow3A_74, %reduce_sum3A_75 [1] : vector<512x256xf32> to vector<512xf32>
    %broadcast_in_dim3A_77 = vector.shape_cast %reduce_sum3A_76 : vector<512xf32> to vector<512x1xf32>
    %div3A_78 = arith.constant 2.560000e+02 : f32
    %div3A_79 = vector.broadcast %div3A_78 : f32 to vector<512x1xf32>
    %div3A_80 = arith.divf %broadcast_in_dim3A_77, %div3A_79 : vector<512x1xf32>
    %sub3A_81 = vector.broadcast %div3A_71 : vector<512x1xf32> to vector<512x256xf32>
    %sub3A_82 = arith.subf %add3A_65, %sub3A_81 : vector<512x256xf32>
    %add3A_83 = arith.constant 9.99999974E-6 : f32
    %add3A_84 = vector.broadcast %add3A_83 : f32 to vector<512x1xf32>
    %add3A_85 = arith.addf %div3A_80, %add3A_84 : vector<512x1xf32>
    %rsqrt3A_86 = math.rsqrt %add3A_85 : vector<512x1xf32>
    %mul3A_87 = vector.broadcast %rsqrt3A_86 : vector<512x1xf32> to vector<512x256xf32>
    %mul3A_88 = arith.mulf %sub3A_82, %mul3A_87 : vector<512x256xf32>
    %get3A_89 = arith.constant 0 : index
    %get3A_90 = arith.constant 0 : index
    %get3A_91 = vector.load %arg11[%get3A_89, %get3A_90] : memref<1x256xf32, #tpu.memory_space<vmem>>, vector<1x256xf32>
    %mul3A_92 = vector.broadcast %get3A_91 : vector<1x256xf32> to vector<512x256xf32>
    %mul3A_93 = arith.mulf %mul3A_88, %mul3A_92 : vector<512x256xf32>
    %get3A_94 = arith.constant 0 : index
    %get3A_95 = arith.constant 0 : index
    %get3A_96 = vector.load %arg12[%get3A_94, %get3A_95] : memref<1x256xf32, #tpu.memory_space<vmem>>, vector<1x256xf32>
    %add3A_97 = vector.broadcast %get3A_96 : vector<1x256xf32> to vector<512x256xf32>
    %add3A_98 = arith.addf %mul3A_93, %add3A_97 : vector<512x256xf32>
    %mul3A_99 = arith.constant 5.000000e-01 : f32
    %mul3A_100 = vector.broadcast %mul3A_99 : f32 to vector<512x256xf32>
    %mul3A_101 = arith.mulf %mul3A_100, %add3A_98 : vector<512x256xf32>
    %mul3A_102 = arith.constant 0.707106769 : f32
    %mul3A_103 = vector.broadcast %mul3A_102 : f32 to vector<512x256xf32>
    %mul3A_104 = arith.mulf %add3A_98, %mul3A_103 : vector<512x256xf32>
    %erf3A_105 = math.erf %mul3A_104 : vector<512x256xf32>
    %add3A_106 = arith.constant 1.000000e+00 : f32
    %add3A_107 = vector.broadcast %add3A_106 : f32 to vector<512x256xf32>
    %add3A_108 = arith.addf %add3A_107, %erf3A_105 : vector<512x256xf32>
    %mul3A_109 = arith.mulf %mul3A_101, %add3A_108 : vector<512x256xf32>
    %get3A_110 = arith.constant 0 : index
    %get3A_111 = arith.constant 0 : index
    %get3A_112 = vector.load %arg13[%get3A_110, %get3A_111] : memref<256x408xf32, #tpu.memory_space<vmem>>, vector<256x408xf32>
    %dot_general3A_113 = arith.constant dense<0.000000e+00> : vector<512x408xf32>
    %dot_general3A_114 = tpu.matmul %mul3A_109, %get3A_112, %dot_general3A_113 {dimension_numbers = #tpu.dot_dimension_numbers<[1], [0], [0], [1], [0, 0, 1, 1], [], []>, transpose_lhs_hint = false} : vector<512x256xf32>, vector<256x408xf32>, vector<512x408xf32> -> vector<512x408xf32>
    %get3A_115 = arith.constant 0 : index
    %get3A_116 = arith.constant 0 : index
    %get3A_117 = vector.load %arg14[%get3A_115, %get3A_116] : memref<1x408xf32, #tpu.memory_space<vmem>>, vector<1x408xf32>
    %add3A_118 = vector.broadcast %get3A_117 : vector<1x408xf32> to vector<512x408xf32>
    %add3A_119 = arith.addf %dot_general3A_114, %add3A_118 : vector<512x408xf32>
    %get3A_120 = arith.constant 0 : index
    %get3A_121 = arith.constant 0 : index
    %get3A_122 = vector.load %arg2[%get3A_120, %get3A_121] : memref<512x408xf32, #tpu.memory_space<vmem>>, vector<512x408xf32>
    %mul3A_123 = arith.mulf %get3A_122, %add3A_119 : vector<512x408xf32>
    %add3A_124 = arith.addf %add3A_55, %mul3A_123 : vector<512x408xf32>
    %swap3A = arith.constant 0 : index
    %swap3A_125 = arith.constant 0 : index
    %swap3A_126 = vector.load %arg15[%swap3A, %swap3A_125] : memref<512x408xf32, #tpu.memory_space<vmem>>, vector<512x408xf32>
    tpu.vector_store %arg15[%swap3A, %swap3A_125], %add3A_124 {strides = array<i32>} : memref<512x408xf32, #tpu.memory_space<vmem>>, vector<512x408xf32>,
    return
  }
  func.func @transform_0(%arg0: i32) -> (i32, i32) {
    %c0_i32 = arith.constant 0 : i32
    %c0_i32_0 = arith.constant 0 : i32
    return %arg0, %c0_i32 : i32, i32
  }
  func.func @transform_1(%arg0: i32) -> (i32, i32) {
    %c0_i32 = arith.constant 0 : i32
    %c0_i32_0 = arith.constant 0 : i32
    return %arg0, %c0_i32 : i32, i32
  }
  func.func @transform_2(%arg0: i32) -> (i32, i32) {
    %c0_i32 = arith.constant 0 : i32
    %c0_i32_0 = arith.constant 0 : i32
    %c0_i32_1 = arith.constant 0 : i32
    return %c0_i32, %c0_i32_0 : i32, i32
  }
  func.func @transform_3(%arg0: i32) -> (i32, i32) {
    %c0_i32 = arith.constant 0 : i32
    %c0_i32_0 = arith.constant 0 : i32
    %c0_i32_1 = arith.constant 0 : i32
    return %c0_i32, %c0_i32_0 : i32, i32
  }
  func.func @transform_4(%arg0: i32) -> (i32, i32) {
    %c0_i32 = arith.constant 0 : i32
    %c0_i32_0 = arith.constant 0 : i32
    %c0_i32_1 = arith.constant 0 : i32
    return %c0_i32, %c0_i32_0 : i32, i32
  }
  func.func @transform_5(%arg0: i32) -> (i32, i32) {
    %c0_i32 = arith.constant 0 : i32
    %c0_i32_0 = arith.constant 0 : i32
    %c0_i32_1 = arith.constant 0 : i32
    return %c0_i32, %c0_i32_0 : i32, i32
  }
  func.func @transform_6(%arg0: i32) -> (i32, i32) {
    %c0_i32 = arith.constant 0 : i32
    %c0_i32_0 = arith.constant 0 : i32
    %c0_i32_1 = arith.constant 0 : i32
    return %c0_i32, %c0_i32_0 : i32, i32
  }
  func.func @transform_7(%arg0: i32) -> (i32, i32) {
    %c0_i32 = arith.constant 0 : i32
    %c0_i32_0 = arith.constant 0 : i32
    %c0_i32_1 = arith.constant 0 : i32
    return %c0_i32, %c0_i32_0 : i32, i32
  }
  func.func @transform_8(%arg0: i32) -> (i32, i32) {
    %c0_i32 = arith.constant 0 : i32
    %c0_i32_0 = arith.constant 0 : i32
    %c0_i32_1 = arith.constant 0 : i32
    return %c0_i32, %c0_i32_0 : i32, i32
  }
  func.func @transform_9(%arg0: i32) -> (i32, i32) {
    %c0_i32 = arith.constant 0 : i32
    %c0_i32_0 = arith.constant 0 : i32
    %c0_i32_1 = arith.constant 0 : i32
    return %c0_i32, %c0_i32_0 : i32, i32
  }
  func.func @transform_10(%arg0: i32) -> (i32, i32) {
    %c0_i32 = arith.constant 0 : i32
    %c0_i32_0 = arith.constant 0 : i32
    %c0_i32_1 = arith.constant 0 : i32
    return %c0_i32, %c0_i32_0 : i32, i32
  }
  func.func @transform_11(%arg0: i32) -> (i32, i32) {
    %c0_i32 = arith.constant 0 : i32
    %c0_i32_0 = arith.constant 0 : i32
    %c0_i32_1 = arith.constant 0 : i32
    return %c0_i32, %c0_i32_0 : i32, i32
  }
  func.func @transform_12(%arg0: i32) -> (i32, i32) {
    %c0_i32 = arith.constant 0 : i32
    %c0_i32_0 = arith.constant 0 : i32
    %c0_i32_1 = arith.constant 0 : i32
    return %c0_i32, %c0_i32_0 : i32, i32
  }
  func.func @transform_13(%arg0: i32) -> (i32, i32) {
    %c0_i32 = arith.constant 0 : i32
    %c0_i32_0 = arith.constant 0 : i32
    %c0_i32_1 = arith.constant 0 : i32
    return %c0_i32, %c0_i32_0 : i32, i32
  }
  func.func @transform_14(%arg0: i32) -> (i32, i32) {
    %c0_i32 = arith.constant 0 : i32
    %c0_i32_0 = arith.constant 0 : i32
    return %arg0, %c0_i32 : i32, i32
  }
}

</mosaic_0001>

<sc_bundles>
// kernel: sparse-core-data-format-call.1.cloned.1.call-start
scs
called_computation.1_lowered:
.L_overlay_start_0:
0x0: {  	s2 =	sld [smem:$0x3FD9]  }
0x1: {  	s3 =	sld [smem:$0x3FFE];
	_ =	sdelay $0x1  }
0x2: {  	s1 =	srdreg.scid  }
0x3: {  	s0 =	sand.u32 $0x1, s1  }
0x4: {  	s18 =	sshll.u32 s0, $0xA;
	s2 =	sadd.s32 s3, s2  }
0x5: {  	s2 =	sadd.s32 s2, s18  }
0x6: {  	[smem:$0x3FB9] =	sst s2  }
0x7: {  	_ = 	snop  }
0x8: {  	s19 =	sld [smem:$0x3FD0];
	(tm) =	ssettm $0x1  }
0x9: {  	s20 =	sld [smem:$0x3FFB];
	_ =	sdelay $0x3  }
0xa: {  	_ =	strace s20  }
0xb: {  	s2 =	sld [smem:$0x3FFC];
	_ =	sdelay $0x3  }
0xc: {  	_ =	strace s2  }
0xd: {  	s2 =	sld [smem:$0x3FFD];
	_ =	sdelay $0x3  }
0xe: {  	_ =	strace s2  }
0xf: {  	_ =	strace $0x8FFFFFFF  }
0x10: {  	s21 =	sld [smem:$0x3FDB];
	_ =	sdelay $0x1  }
0x11: {  	s4 =	simm.s32 $_scs_section_size  }
0x12: {  	s5 =	simm.s32 $_size__tile_overlayer_lowered;
	s6 =	simm.s32 $_tile_overlayer_lowered  }
0x13: {  	s7 =	simm.s32 $0x1BFF;
	s22 =	sshll.u32 s6, $0x1;
	s4 =	sadd.s32 s4, s21  }
0x14: {  	s23 =	simm.s32 $0x0;
	s5 =	sshll.u32 s5, $0x1;
	s6 =	sadd.s32 s22, s4  }
0x15: {  	[timem:s23], [sflag:s7] =	dma.local [hbm:s6], s5  }
0x16: {  	_ =	swait.ge [sflag:s7], s5  }
0x17: {  	s5 =	ssub.s32 $0x0, s5;
	[sflag:s7] =	ssyncset.done $0x0  }
0x18: {  	[sflag:s7] =	ssyncadd.s32 s5;
	_ =	sdelay $0x1  }
0x19: {  	s24 =	simm.s32 $0x1B8B  }
0x1a: {  	_ =	swait.ge [sflag:s24], $0x1  }
0x1b: {  	[sflag:s24] =	ssyncset.done $0x0  }
0x1c: {  	[sflag:s24] =	ssyncadd.s32 $0xFFFFFFFF  }
0x1d: {  	s5 =	sld [smem:$0x0]  }
0x1e: {  	s6 =	sand.u32 $0xFFFFFFFE, s1  }
0x1f: {  	p0 =	sne.s32 s1, s6  }
0x20: {  	s6 =	sshll.u32 @p0 s6, $0xE  }
0x21: {  	s6 =	sadd.s32 @p0 $0x11B8D, s6;
	s7 =	sshll.u32 @p0 s5, $0x11  }
0x22: {  	s6 =	sor.u32 @p0 s7, s6  }
0x23: {  	[sflag:s6] =	ssyncadd.remote.s32 @p0 $0x1;
	_ =	sdelay $0x1  }
0x24: {  	s6 =	simm.s32 @p0 $0x1B8D  }
0x25: {  	_ =	swait.eq @p0 [sflag:s6], $0x1  }
0x26: {  	[sflag:s6] =	ssyncadd.s32 @p0 $0xFFFFFFFF  }
0x27: {  	s7 =	sshll.u32 @!p0 s1, $0xE  }
0x28: {  	s7 =	sor.u32 @!p0 $0x4000, s7;
	s6 =	simm.s32 @!p0 $0x1B8D  }
0x29: {  	s5 =	sshll.u32 @!p0 s5, $0x11;
	s7 =	sadd.s32 @!p0 $0x11B8D, s7;
	_ =	swait.eq @!p0 [sflag:s6], $0x1  }
0x2a: {  	s5 =	sor.u32 @!p0 s5, s7;
	[sflag:s6] =	ssyncadd.s32 @!p0 $0xFFFFFFFF  }
0x2b: {  	s26 =	simm.s32 $0x1B8E;
	s25 =	sld [smem:$0x3FFE];
	[sflag:s5] =	ssyncadd.remote.s32 @!p0 $0x1  }
0x2c: {  	s27 =	simm.s32 $execute0_lowered;
	[smem:$0x3FD2] =	sst s26  }
0x2d: {  	s6 =	sshll.u32 s27, $0x1;
	_ =	strace $0x80000052;
	[dreg:$0x1] =	wrdreg $0xFFFFFFFF  }
0x2e: {  	s28 =	simm.s32 $_size_execute0_lowered;
	s4 =	sadd.s32 s4, s6;
	[dreg:$0x0] =	wrdreg $0x0  }
0x2f: {  	s6 =	sshll.u32 s28, $0x1;
	[dreg:$0x2] =	wrdreg s4  }
0x30: {  	[dreg:$0x3] =	wrdreg s6  }
0x31: {  	[dreg:$0x4] =	wrdreg $0xC0  }
0x32: {  	_ =	task [dreg:s23], $0x5FFFF  }
0x33: {  	[dreg:$0x1] =	wrdreg $0xFFFFFFFF  }
0x34: {  	[dreg:$0x0] =	wrdreg $0x60  }
0x35: {  	[dreg:$0x2] =	wrdreg s19  }
0x36: {  	[dreg:$0x3] =	wrdreg s25  }
0x37: {  	[dreg:$0x4] =	wrdreg $0xA  }
0x38: {  	_ =	task.clear_ibuf [dreg:s23], $0x5FFFF;
	_ =	strace $0x90000052  }
0x39: {  	s29 =	simm.s32 $0xA;
	_ =	strace $0x80000054  }
0x3a: {  	_ =	swait.ge [sflag:s29], $0x1  }
0x3b: {  	[sflag:s29] =	ssyncadd.s32 $0xFFFFFFFF  }
0x3c: {  	_ =	strace $0x90000054  }
0x3d: {  	_ =	sfence  }
0x3e: {  	s30 =	sld [smem:$0x0];
	_ =	sdelay $0x2  }
0x3f: {  	s31 =	sshll.u32 s1, $0xD;
	s1 =	sshrl.u32 s1, $0x2  }
0x40: {  	s4 =	sand.u32 $0x4000, s31;
	s1 =	sadd.s32 s1, s30  }
0x41: {  	s0 =	sor.u32 s4, s0;
	s1 =	sshll.u32 s1, $0x11  }
0x42: {  	s0 =	sor.u32 s1, s0  }
0x43: {  	s0 =	sadd.s32 $0x8F2B, s0  }
0x44: {  	[sflag:s0] =	ssyncadd.remote.s32 $0x1  }
0x45: {  	_ =	sfence.sel $0xFFFF  }
0x46: {  	[dreg:$0x0] =	wrdreg $0xFFFFFFFF;
	(pc) =	sbr.abs _section_cstart, $3  }
0x47: {  	[dreg:$0x1] =	wrdreg $0xFFFFFFFF  }
0x48: {  	_ =	task.clear_ibuf [dreg:s23], $0x2FFFF;
	_ =	strace $0x9FFFFFFF  }
0x49: {  	(tm) =	ssettm $0x7FFFFFFF  }
tec
execute0_lowered:
.L_overlay_start_1:
0x0: {  	(tag) =	ssettag $0x1  }
0x1: {  	s2 =	rddreg [dreg:$0x0]  }
0x2: {  	s0 =	srdreg.scid;
	s5 =	rddreg [dreg:$0x1]  }
0x3: {  	s4 =	simm.s32 $0x1;
	s8 =	simm.s32 $0x2;
	s1 =	sshll.u32 s0, $0x4  }
0x4: {  	s13 =	simm.s32 $0x0;
	s0 =	stileid.u32;
	s1 =	sand.u32 $0x10, s1  }
0x5: {  	s14 =	simm.s32 $0x0;
	s15 =	simm.s32 $0x0;
	s1 =	sor.u32 s0, s1  }
0x6: {  	s9 =	simm.s32 $0x0;
	s10 =	simm.s32 $0x0;
	s3 =	sshll.u32 s1, $0x3  }
0x7: {  	s12 =	simm.s32 $0x0;
	s5 =	sadd.s32 $0x3600, s5;
	s6 =	ssub.s32 $0x1000, s3  }
.Ltmp0:
0x8: {  	s1 =	rddreg [dreg:$0x2];
	s7 =	sand.u32 $0xF8, s6;
	(pc) =	sbr.rel .LBB1_1-.Ltmp0, $4  }
0x9: {  	_ =	strace $0x80000053;
	p0 =	sne.s32 s7, $0x0;
	s7 =	simm.s32 $0x1  }
0xa: {  	[sflag:s4] =	ssyncpa.u1 $0x0;
	s6 =	sshrl.u32 s6, $0x8;
	s7 =	simm.s32 @!p0 $0x0  }
0xb: {  	s11 =	smov.u32 s3;
	[sflag:s8] =	ssyncpa.u1 $0x0;
	s7 =	sadd.s32 s7, s6  }
0xc: {  	s8 =	simm.s32 $0x800000;
	s6 =	sshll.u32 s7, $0x1;
	s7 =	sshllo.u32 s7, $0x1  }
.LBB1_9:
0xd: {  	s16 =	sadd.s32 $0x400, s9  }
0xe: {  	s13 =	sadd.s32 $0x2, s10;
	s17 =	smov.u32 s10;
	p1 =	sgt.s32 s16, $0x7FF  }
0xf: {  	s17 =	smov.u32 @p1 s13  }
0x10: {  	s19 =	smov.u32 s11;
	s13 =	sadd.s32 $0x100, s11;
	p2 =	sgt.s32 s17, $0x1  }
0x11: {  	s19 =	smov.u32 @p2 s13  }
0x12: {  	s16 =	simm.s32 @p1 $0x0;
	p1 =	sgt.s32 s19, $0xFFF  }
0x13: {  	p0 =	slt.u32 s12, $0x2;
	s19 =	smov.u32 @p1 s3;
	p1 =	sne.s32 s12, s7  }
.Ltmp1:
0x14: {  	s18 =	simm.s32 @!p0 $0x2;
	(pc) =	sbr.rel @!p1 .LBB1_10-.Ltmp1, $4  }
0x15: {  	s14 =	smov.u32 s10;
	_ =	swait.ge @!p0 [sflag:s18], $0x4000  }
0x16: {  	s15 =	smov.u32 s11;
	[sflag:s18] =	ssyncset.done @!p0 $0x0;
	s17 =	simm.s32 @p2 $0x0  }
0x17: {  	s13 =	smov.u32 s9;
	[sflag:s18] =	ssyncadd.s32 @!p0 $0xFFFFC000;
	s9 =	smov.u32 s16  }
0x18: {  	s10 =	smov.u32 s17;
	s12 =	sadd.s32 $0x1, s12;
	s11 =	smov.u32 s19  }
.LBB1_1:
0x19: {  	p0 =	sge.u32 s12, s6  }
0x1a: {  	s16 =	sshll.u32 @!p0 s10, $0x7  }
0x1b: {  	s17 =	sand.u32 @!p0 $0x78, s9;
	s18 =	sshll.u32 @!p0 s9, $0x1;
	s16 =	sand.u32 @!p0 $0x80, s16  }
0x1c: {  	s31 =	sadd.s32 $0xFFFFFFFF, s12;
	s18 =	sand.u32 @!p0 $0x700, s18;
	s16 =	sor.u32 @!p0 s16, s17  }
0x1d: {  	s17 =	sshll.u32 @!p0 s11, $0x9;
	s16 =	sor.u32 @!p0 s18, s16;
	s18 =	sshrl.u32 @!p0 s9, $0x2  }
0x1e: {  	s19 =	sxor.u32 @!p0 $0xFFFFFFFF, s12;
	s17 =	sadd.s32 @!p0 s2, s17;
	s18 =	sand.u32 @!p0 $0x100, s18  }
0x1f: {  	s19 =	sshll.u32 @!p0 s19, $0xE;
	s17 =	sadd.s32 @!p0 s18, s17;
	s18 =	sand.u32 @!p0 $0x7, s9  }
0x20: {  	s19 =	sand.u32 @!p0 $0x4000, s19;
	s16 =	sshrl.u32 @!p0 s16, $0x3;
	s18 =	sshll.u32 @!p0 s18, $0x12  }
0x21: {  	s16 =	sadd.s32 @!p0 s16, s17;
	s17 =	sor.u32 @!p0 $0x800, s18;
	s18 =	simm.s32 @!p0 $0x1000  }
0x22: {  	[tilespmem:s19], [sflag:$0x1] =	stream.strided.gather @!p0 [hbm4b:s16+s17], $0x4000, s18, s17, $0x38;
	[tilespmem:$0x10000] =	vst v63  }
0x23: {  	p0 =	sge.u32 s31, s6  }
.Ltmp2:
0x24: {  	_ = 	snop;
	(pc) =	sbr.rel @p0 .LBB1_9-.Ltmp2, $1  }
0x25: {  	_ =	sdelay $0x3  }
0x26: {  	_ =	swait.ge [sflag:s4], $0x4000;
	s16 =	sshll.u32 s12, $0xE  }
0x27: {  	[sflag:s4] =	ssyncset.done $0x0;
	s17 =	sand.u32 $0x4000, s16  }
0x28: {  	s18 =	simm.s32 $0x0;
	[sflag:s4] =	ssyncadd.s32 $0xFFFFC000;
	s16 =	sor.u32 $0x8000, s17  }
.LBB1_3:
0x29: {  	s21 =	sshll.u32 s18, $0xB  }
0x2a: {  	s22 =	sshll.u32 s18, $0x7;
	p1 =	por $0x1, $0x1;
	v1 =	vmov s21  }
0x2b: {  	s19 =	sadd.s32 s21, s17;
	s20 =	sadd.s32 s22, s16;
	v0 =	vmov s22;
	s21 =	simm.s32 $0x0  }
.LBB1_4:
0x2c: {  	s22 =	sshll.u32 s21, $0x7  }
0x2d: {  	s25 =	sadd.s32 s22, s19  }
0x2e: {  	v2 =	vmov s25  }
0x2f: {  	s24 =	sshll.u32 s21, $0xD;
	p0 =	por p1, p1;
	s23 =	simm.s32 $0x0  }
0x30: {  	p1 =	por $0x1, $0x1;
	s21 =	sadd.s32 s24, s16;
	s22 =	sadd.s32 s22, s17;
	v3 =	vmov s24  }
.LBB1_5:
0x31: {  	s23 =	sshll.u32 s23, $0x3  }
0x32: {  	s24 =	sshra.s32 s23, $0x2  }
0x33: {  	v4 =	vld.idx.msk [tilespmem:v2+s24+$0x0 ss:$0x1], $0xffff;
	s24 =	sadd.s32 s24, s22  }
0x34: {  	v5 =	vld.idx.msk [tilespmem:v1+s24+$0x10 ss:$0x1], $0xffff  }
0x35: {  	v6 =	vld.idx.msk [tilespmem:v1+s24+$0x20 ss:$0x1], $0xffff  }
0x36: {  	s23 =	sand.u32 $0x3FFFFFF8, s23;
	v7 =	vld.idx.msk [tilespmem:v1+s24+$0x30 ss:$0x1], $0xffff  }
0x37: {  	s25 =	sadd.s32 s23, s21;
	v8 =	vld.idx.msk [tilespmem:v1+s24+$0x40 ss:$0x1], $0xffff  }
0x38: {  	s23 =	sadd.s32 s23, s20;
	[tilespmem:v0+s25+$0x0 ss:$0x1] =	vst.idx.msk $0xffff, v4;
	v4 =	vld.idx.msk [tilespmem:v1+s24+$0x50 ss:$0x1], $0xffff  }
0x39: {  	[tilespmem:v3+s23+$0x10 ss:$0x1] =	vst.idx.msk $0xffff, v5;
	v5 =	vld.idx.msk [tilespmem:v1+s24+$0x60 ss:$0x1], $0xffff  }
0x3a: {  	v49 =	vld.idx.msk [tilespmem:v1+s24+$0x70 ss:$0x1], $0xffff;
	[tilespmem:v3+s23+$0x20 ss:$0x1] =	vst.idx.msk $0xffff, v6  }
0x3b: {  	v50 =	vld.idx.msk [tilespmem:v1+s24+$0x100 ss:$0x1], $0xffff;
	[tilespmem:v3+s23+$0x30 ss:$0x1] =	vst.idx.msk $0xffff, v7  }
0x3c: {  	v51 =	vld.idx.msk [tilespmem:v1+s24+$0x110 ss:$0x1], $0xffff;
	[tilespmem:v3+s23+$0x40 ss:$0x1] =	vst.idx.msk $0xffff, v8  }
0x3d: {  	[tilespmem:v3+s23+$0x50 ss:$0x1] =	vst.idx.msk $0xffff, v4;
	v4 =	vld.idx.msk [tilespmem:v1+s24+$0x120 ss:$0x1], $0xffff  }
0x3e: {  	[tilespmem:v3+s23+$0x60 ss:$0x1] =	vst.idx.msk $0xffff, v5;
	v5 =	vld.idx.msk [tilespmem:v1+s24+$0x130 ss:$0x1], $0xffff  }
0x3f: {  	v52 =	vld.idx.msk [tilespmem:v1+s24+$0x140 ss:$0x1], $0xffff;
	[tilespmem:v3+s23+$0x70 ss:$0x1] =	vst.idx.msk $0xffff, v49  }
0x40: {  	v53 =	vld.idx.msk [tilespmem:v1+s24+$0x150 ss:$0x1], $0xffff;
	[tilespmem:v0+s25+$0x400 ss:$0x1] =	vst.idx.msk $0xffff, v50  }
0x41: {  	v54 =	vld.idx.msk [tilespmem:v1+s24+$0x160 ss:$0x1], $0xffff;
	[tilespmem:v3+s23+$0x410 ss:$0x1] =	vst.idx.msk $0xffff, v51  }
0x42: {  	[tilespmem:v3+s23+$0x420 ss:$0x1] =	vst.idx.msk $0xffff, v4;
	v4 =	vld.idx.msk [tilespmem:v1+s24+$0x170 ss:$0x1], $0xffff  }
0x43: {  	[tilespmem:v3+s23+$0x430 ss:$0x1] =	vst.idx.msk $0xffff, v5;
	v5 =	vld.idx.msk [tilespmem:v1+s24+$0x200 ss:$0x1], $0xffff  }
0x44: {  	v55 =	vld.idx.msk [tilespmem:v1+s24+$0x210 ss:$0x1], $0xffff;
	[tilespmem:v3+s23+$0x440 ss:$0x1] =	vst.idx.msk $0xffff, v52  }
0x45: {  	v56 =	vld.idx.msk [tilespmem:v1+s24+$0x220 ss:$0x1], $0xffff;
	[tilespmem:v3+s23+$0x450 ss:$0x1] =	vst.idx.msk $0xffff, v53  }
0x46: {  	v57 =	vld.idx.msk [tilespmem:v1+s24+$0x230 ss:$0x1], $0xffff;
	[tilespmem:v3+s23+$0x460 ss:$0x1] =	vst.idx.msk $0xffff, v54  }
0x47: {  	[tilespmem:v3+s23+$0x470 ss:$0x1] =	vst.idx.msk $0xffff, v4;
	v4 =	vld.idx.msk [tilespmem:v1+s24+$0x240 ss:$0x1], $0xffff  }
0x48: {  	[tilespmem:v0+s25+$0x800 ss:$0x1] =	vst.idx.msk $0xffff, v5;
	v5 =	vld.idx.msk [tilespmem:v1+s24+$0x250 ss:$0x1], $0xffff  }
0x49: {  	v58 =	vld.idx.msk [tilespmem:v1+s24+$0x260 ss:$0x1], $0xffff;
	[tilespmem:v3+s23+$0x810 ss:$0x1] =	vst.idx.msk $0xffff, v55  }
0x4a: {  	v59 =	vld.idx.msk [tilespmem:v1+s24+$0x270 ss:$0x1], $0xffff;
	[tilespmem:v3+s23+$0x820 ss:$0x1] =	vst.idx.msk $0xffff, v56  }
0x4b: {  	v60 =	vld.idx.msk [tilespmem:v1+s24+$0x300 ss:$0x1], $0xffff;
	[tilespmem:v3+s23+$0x830 ss:$0x1] =	vst.idx.msk $0xffff, v57  }
0x4c: {  	[tilespmem:v3+s23+$0x840 ss:$0x1] =	vst.idx.msk $0xffff, v4;
	v4 =	vld.idx.msk [tilespmem:v1+s24+$0x310 ss:$0x1], $0xffff  }
0x4d: {  	[tilespmem:v3+s23+$0x850 ss:$0x1] =	vst.idx.msk $0xffff, v5;
	v5 =	vld.idx.msk [tilespmem:v1+s24+$0x320 ss:$0x1], $0xffff  }
0x4e: {  	v61 =	vld.idx.msk [tilespmem:v1+s24+$0x330 ss:$0x1], $0xffff;
	[tilespmem:v3+s23+$0x860 ss:$0x1] =	vst.idx.msk $0xffff, v58  }
0x4f: {  	v62 =	vld.idx.msk [tilespmem:v1+s24+$0x340 ss:$0x1], $0xffff;
	[tilespmem:v3+s23+$0x870 ss:$0x1] =	vst.idx.msk $0xffff, v59  }
0x50: {  	v63 =	vld.idx.msk [tilespmem:v1+s24+$0x350 ss:$0x1], $0xffff;
	[tilespmem:v0+s25+$0xC00 ss:$0x1] =	vst.idx.msk $0xffff, v60  }
0x51: {  	[tilespmem:v3+s23+$0xC10 ss:$0x1] =	vst.idx.msk $0xffff, v4;
	v4 =	vld.idx.msk [tilespmem:v1+s24+$0x360 ss:$0x1], $0xffff  }
0x52: {  	p2 =	por p1, p1;
	[tilespmem:v3+s23+$0xC20 ss:$0x1] =	vst.idx.msk $0xffff, v5;
	v5 =	vld.idx.msk [tilespmem:v1+s24+$0x370 ss:$0x1], $0xffff  }
.Ltmp3:
0x53: {  	[tilespmem:v3+s23+$0xC30 ss:$0x1] =	vst.idx.msk $0xffff, v61;
	(pc) =	sbr.rel @p2 .LBB1_5-.Ltmp3, $4  }
0x54: {  	[tilespmem:v3+s23+$0xC40 ss:$0x1] =	vst.idx.msk $0xffff, v62  }
0x55: {  	[tilespmem:v3+s23+$0xC50 ss:$0x1] =	vst.idx.msk $0xffff, v63  }
0x56: {  	[tilespmem:v3+s23+$0xC60 ss:$0x1] =	vst.idx.msk $0xffff, v4  }
0x57: {  	p1 =	por $0x0, $0x0;
	[tilespmem:v3+s23+$0xC70 ss:$0x1] =	vst.idx.msk $0xffff, v5;
	s23 =	simm.s32 $0x200  }
.Ltmp4:
0x58: {  	(pc) =	sbr.rel @p0 .LBB1_4-.Ltmp4, $2  }
0x59: {  	_ =	sdelay $0x2  }
0x5a: {  	s21 =	simm.s32 $0x1;
	p1 =	por $0x0, $0x0  }
0x5b: {  	s18 =	sadd.s32 $0x1, s18  }
0x5c: {  	p0 =	sne.s32 s18, $0x8  }
.Ltmp5:
0x5d: {  	_ = 	snop;
	(pc) =	sbr.rel @p0 .LBB1_3-.Ltmp5, $1  }
0x5e: {  	_ =	sdelay $0x3  }
0x5f: {  	s17 =	sand.u32 $0x78, s13  }
0x60: {  	s18 =	sshll.u32 s15, $0xB;
	s29 =	sshll.u32 s15, $0x7;
	s19 =	sshll.u32 s13, $0x3  }
0x61: {  	s14 =	sshll.u32 s14, $0x14;
	s31 =	sand.u32 $0x7, s13;
	s18 =	sand.u32 $0x7FC000, s18  }
0x62: {  	s15 =	sand.u32 $0x380, s29;
	s18 =	sadd.s32 s18, s19;
	s19 =	sand.u32 $0x400, s19  }
.Ltmp6:
0x63: {  	s15 =	sor.u32 s15, s17;
	s30 =	sshrl.u32 s18, $0x3;
	(pc) =	sbr.rel .LBB1_9-.Ltmp6, $4  }
0x64: {  	s14 =	sadd.s32 s5, s14;
	s15 =	sor.u32 s19, s15;
	s17 =	sand.u32 $0xFFF00, s30  }
0x65: {  	s13 =	sshll.u32 s31, $0x12;
	s15 =	sshrl.u32 s15, $0x3;
	s14 =	sadd.s32 s17, s14  }
0x66: {  	s13 =	sor.u32 $0x2000, s13;
	s14 =	sadd.s32 s15, s14  }
0x67: {  	[hbm4b:s14+s13] =	stream.strided.scatter [tilespmem:s16], [sflag:$0x2], $0x4000, s8, s13, $0x38;
	[tilespmem:$0x10000] =	vst v63  }
.LBB1_10:
0x68: {  	_ =	sfence.sel $0x180000  }
0x69: {  	s2 =	simm.s32 $0x1;
	[bflag:$0x0] =	sbarrier.arrive $0xFFFF  }
0x6a: {  	s31 =	simm.s32 $0x2;
	[sflag:s2] =	ssyncpa.u1 $0x1  }
0x6b: {  	[sflag:s31] =	ssyncpa.u1 $0x1  }
0x6c: {  	p0 =	sne.s32 s0, $0x0;
	_ =	strace $0x90000053  }
0x6d: {  	s0 =	sadd.s32 @!p0 $0x100000, s1;
	[bflag:$0x2] =	sbarrier.arrive $0xFFFF  }
0x6e: {  	[sflag:s0] =	ssyncadd.tile.s32 @!p0 $0x1;
	_ =	shalt  }
.Lfunc_end1:
_tile_overlayer_lowered:
.L_overlay_start_2:
0x6f: {  	(tag) =	ssettag $0x2  }
0x70: {  	s0 =	rddreg [dreg:$0x0];
	s2 =	stileid.u32  }
0x71: {  	s1 =	rddreg [dreg:$0x1];
	p0 =	sne.s32 s2, $0x0  }
0x72: {  	s3 =	rddreg [dreg:$0x2];
	[bflag:$0x3] =	sbarrier.arrive $0xFFFF;
	s2 =	simm.s32 @!p0 $0x1C01  }
0x73: {  	[timem:s3], [sflag:s2] =	dma.local @!p0 [hbm:s0], s1  }
0x74: {  	s0 =	simm.s32 @!p0 $0x1  }
0x75: {  	_ =	swait.ge @!p0 [sflag:s0], s1  }
0x76: {  	s1 =	ssub.s32 @!p0 $0x0, s1;
	[sflag:s0] =	ssyncset.done @!p0 $0x0  }
0x77: {  	[sflag:s0] =	ssyncadd.s32 @!p0 s1  }
0x78: {  	[bflag:$0x3] =	sbarrier.arrive $0xFFFF  }
0x79: {  	_ =	shalt  }

// kernel: sparse-core-data-format-call.2.cloned.1.call-start
scs
called_computation.2_lowered:
.L_overlay_start_0:
0x0: {  	s1 =	sld [smem:$0x3FD9]  }
0x1: {  	s2 =	sld [smem:$0x3FFE];
	_ =	sdelay $0x1  }
0x2: {  	s3 =	srdreg.scid  }
0x3: {  	s0 =	sand.u32 $0x1, s3  }
0x4: {  	s17 =	sshll.u32 s0, $0xA;
	s1 =	sadd.s32 s2, s1  }
0x5: {  	s1 =	sadd.s32 s1, s17  }
0x6: {  	[smem:$0x3FB9] =	sst s1  }
0x7: {  	_ = 	snop  }
0x8: {  	(tm) =	ssettm $0x1  }
0x9: {  	s18 =	sld [smem:$0x3FFB];
	_ =	sdelay $0x3  }
0xa: {  	_ =	strace s18  }
0xb: {  	s1 =	sld [smem:$0x3FFC];
	_ =	sdelay $0x3  }
0xc: {  	_ =	strace s1  }
0xd: {  	s1 =	sld [smem:$0x3FFD];
	_ =	sdelay $0x3  }
0xe: {  	_ =	strace s1  }
0xf: {  	_ =	strace $0x8FFFFFFF  }
0x10: {  	s19 =	sld [smem:$0x3FDB];
	_ =	sdelay $0x1  }
0x11: {  	s20 =	simm.s32 $_scs_section_size  }
0x12: {  	s4 =	simm.s32 $_size__tile_overlayer_lowered;
	s5 =	simm.s32 $_tile_overlayer_lowered  }
0x13: {  	s23 =	simm.s32 $0x1BFF;
	s22 =	sshll.u32 s5, $0x1;
	s1 =	sadd.s32 s20, s19  }
0x14: {  	s6 =	simm.s32 $0x0;
	s21 =	sshll.u32 s4, $0x1;
	s4 =	sadd.s32 s22, s1  }
0x15: {  	[timem:s6], [sflag:s23] =	dma.local [hbm:s4], s21  }
0x16: {  	_ =	swait.ge [sflag:s23], s21  }
0x17: {  	s2 =	ssub.s32 $0x0, s21;
	[sflag:s23] =	ssyncset.done $0x0  }
0x18: {  	[sflag:s23] =	ssyncadd.s32 s2;
	_ =	sdelay $0x1  }
0x19: {  	s24 =	simm.s32 $0x1B8B  }
0x1a: {  	_ =	swait.ge [sflag:s24], $0x1  }
0x1b: {  	[sflag:s24] =	ssyncset.done $0x0  }
0x1c: {  	s26 =	simm.s32 $0x1B8E;
	s25 =	sld [smem:$0x3FFE];
	[sflag:s24] =	ssyncadd.s32 $0xFFFFFFFF  }
0x1d: {  	s27 =	simm.s32 $execute0_lowered;
	[smem:$0x3FD2] =	sst s26  }
0x1e: {  	s4 =	sshll.u32 s27, $0x1;
	_ =	strace $0x80000049;
	[dreg:$0x1] =	wrdreg $0xFFFFFFFF  }
0x1f: {  	s28 =	simm.s32 $_size_execute0_lowered;
	s1 =	sadd.s32 s1, s4;
	[dreg:$0x0] =	wrdreg $0x0  }
0x20: {  	s4 =	sshll.u32 s28, $0x1;
	[dreg:$0x2] =	wrdreg s1  }
0x21: {  	[dreg:$0x3] =	wrdreg s4  }
0x22: {  	[dreg:$0x4] =	wrdreg $0xC0  }
0x23: {  	_ =	task [dreg:s6], $0x5FFFF  }
0x24: {  	[dreg:$0x1] =	wrdreg $0xFFFFFFFF  }
0x25: {  	[dreg:$0x0] =	wrdreg $0x60  }
0x26: {  	[dreg:$0x2] =	wrdreg s25  }
0x27: {  	[dreg:$0x3] =	wrdreg $0x9  }
0x28: {  	_ =	task.clear_ibuf [dreg:s6], $0x4FFFF;
	_ =	strace $0x90000049  }
0x29: {  	s29 =	simm.s32 $0x9;
	_ =	strace $0x8000004B  }
0x2a: {  	_ =	swait.ge [sflag:s29], $0x1  }
0x2b: {  	[sflag:s29] =	ssyncadd.s32 $0xFFFFFFFF  }
0x2c: {  	_ =	strace $0x9000004B  }
0x2d: {  	_ =	sfence  }
0x2e: {  	s30 =	sld [smem:$0x0];
	_ =	sdelay $0x2  }
0x2f: {  	s31 =	sshll.u32 s3, $0xD;
	s3 =	sshrl.u32 s3, $0x2  }
0x30: {  	s2 =	sand.u32 $0x4000, s31;
	s1 =	sadd.s32 s3, s30  }
0x31: {  	s0 =	sor.u32 s2, s0;
	s1 =	sshll.u32 s1, $0x11  }
0x32: {  	s0 =	sor.u32 s1, s0  }
0x33: {  	s0 =	sadd.s32 $0x8F2B, s0  }
0x34: {  	[sflag:s0] =	ssyncadd.remote.s32 $0x1  }
0x35: {  	_ =	sfence.sel $0xFFFF  }
0x36: {  	[dreg:$0x0] =	wrdreg $0xFFFFFFFF;
	(pc) =	sbr.abs _section_cstart, $3  }
0x37: {  	[dreg:$0x1] =	wrdreg $0xFFFFFFFF  }
0x38: {  	_ =	task.clear_ibuf [dreg:s6], $0x2FFFF;
	_ =	strace $0x9FFFFFFF  }
0x39: {  	(tm) =	ssettm $0x7FFFFFFF  }
tec
execute0_lowered:
.L_overlay_start_1:
0x0: {  	(tag) =	ssettag $0x1  }
0x1: {  	s0 =	stileid.u32  }
0x2: {  	s1 =	srdreg.scid;
	s5 =	rddreg [dreg:$0x0];
	s31 =	simm.s32 $0x2  }
0x3: {  	s15 =	simm.s32 $0x0;
	s2 =	sshll.u32 s0, $0x6;
	s1 =	sshll.u32 s1, $0xA  }
0x4: {  	s9 =	simm.s32 $0x1000;
	s14 =	simm.s32 $0x0;
	s1 =	sor.u32 s2, s1  }
0x5: {  	s16 =	simm.s32 $0x0;
	s10 =	simm.s32 $0x0;
	s1 =	sand.u32 $0x780, s1  }
0x6: {  	s13 =	simm.s32 $0x0;
	s2 =	sand.u32 $0x1, s0;
	s3 =	ssub.s32 $0x800, s1  }
0x7: {  	s4 =	ssub.s32 $0x2, s2;
	s12 =	smov.u32 s2;
	s6 =	sand.u32 $0x780, s3  }
0x8: {  	s7 =	sshrl.u32 s4, $0x1;
	p0 =	sne.s32 s6, $0x0;
	s6 =	simm.s32 $0x1  }
0x9: {  	s4 =	sand.u32 $0x1, s4;
	s8 =	sshrl.u32 s3, $0xB;
	s6 =	simm.s32 @!p0 $0x0  }
.Ltmp0:
0xa: {  	s4 =	sadd.s32 s4, s7;
	s6 =	sadd.s32 s6, s8;
	(pc) =	sbr.rel .LBB1_1-.Ltmp0, $4  }
0xb: {  	s11 =	smov.u32 s1;
	s3 =	rddreg [dreg:$0x1];
	s7 =	smul.u32 s6, s4  }
0xc: {  	_ =	strace $0x8000004A;
	p0 =	por $0x0, $0x0;
	s6 =	simm.s32 $0x1  }
0xd: {  	s4 =	sadd.s32 $0x203600, s5;
	[sflag:s6] =	ssyncpa.u1 $0x0;
	s7 =	sshll.u32 s7, $0x5  }
0xe: {  	s5 =	sadd.s32 $0x3600, s5;
	[sflag:s31] =	ssyncpa.u1 $0x0;
	s8 =	sor.u32 $0x1, s7  }
.LBB1_4:
0xf: {  	v5 =	vld [tilespmem:s20+$0xFFFFFFD0];
	[tilespmem:s19+$0x2040 ss:$0x81] =	vst.msk $0xffff, v1  }
0x10: {  	v58 =	vld [tilespmem:s20+$0xFFFFFFE0];
	[tilespmem:s19+$0x2850 ss:$0x81] =	vst.msk $0xffff, v2  }
0x11: {  	s21 =	sshra.s32 s21, $0x2;
	v59 =	vld [tilespmem:s20+$0xFFFFFFF0];
	[tilespmem:s19+$0x3060 ss:$0x81] =	vst.msk $0xffff, v3  }
0x12: {  	v60 =	vld [tilespmem:s20+$0x0];
	[tilespmem:s19+$0x0 ss:$0x81] =	vst.msk $0xffff, v0;
	s18 =	sadd.s32 s21, s18  }
0x13: {  	v61 =	vld [tilespmem:s20+$0x10];
	[tilespmem:s18+$0x3870 ss:$0x81] =	vst.msk $0xffff, v4  }
0x14: {  	v62 =	vld [tilespmem:s20+$0x20];
	[tilespmem:s18+$0x810 ss:$0x81] =	vst.msk $0xffff, v5  }
0x15: {  	s16 =	sshll.u32 s16, $0x7;
	v63 =	vld [tilespmem:s20+$0xFFFFFFC0];
	s28 =	sand.u32 $0x78, s14;
	s29 =	sshll.u32 s14, $0x1;
	[tilespmem:s18+$0x1020 ss:$0x81] =	vst.msk $0xffff, v58  }
0x16: {  	s15 =	sshll.u32 s15, $0x10;
	s30 =	sshrl.u32 s14, $0x2;
	s16 =	sand.u32 $0x80, s16;
	[tilespmem:s18+$0x1830 ss:$0x81] =	vst.msk $0xffff, v59  }
0x17: {  	s31 =	sand.u32 $0x7, s14;
	s20 =	sand.u32 $0x700, s29;
	s16 =	sor.u32 s16, s28;
	[tilespmem:s18+$0x2040 ss:$0x81] =	vst.msk $0xffff, v60  }
0x18: {  	s19 =	sand.u32 $0x100, s30;
	s15 =	sadd.s32 s5, s15;
	s16 =	sor.u32 s20, s16;
	[tilespmem:s18+$0x2850 ss:$0x81] =	vst.msk $0xffff, v61  }
0x19: {  	s14 =	sshll.u32 s31, $0x12;
	s15 =	sadd.s32 s19, s15;
	s16 =	sshrl.u32 s16, $0x3;
	[tilespmem:s18+$0x3060 ss:$0x81] =	vst.msk $0xffff, v62  }
0x1a: {  	s14 =	sor.u32 $0x80, s14;
	[tilespmem:s18+$0x0 ss:$0x81] =	vst.msk $0xffff, v63;
	s15 =	sadd.s32 s16, s15  }
0x1b: {  	[hbm4b:s15+s14] =	stream.strided.scatter [tilespmem:s17], [sflag:$0x2], $0x4000, s9, s14, $0x20;
	[tilespmem:$0x10100] =	vst v63  }
.LBB1_5:
0x1c: {  	s17 =	sadd.s32 $0x1, s10  }
0x1d: {  	s14 =	sadd.s32 $0x800, s11;
	s18 =	smov.u32 s11;
	p2 =	sgt.s32 s17, $0x1F  }
0x1e: {  	s18 =	smov.u32 @p2 s14  }
0x1f: {  	s20 =	smov.u32 s12;
	s14 =	sadd.s32 $0x2, s12;
	p3 =	sgt.s32 s18, $0x7FF  }
0x20: {  	s20 =	smov.u32 @p3 s14  }
0x21: {  	s17 =	simm.s32 @p2 $0x0;
	p2 =	sgt.s32 s20, $0x1  }
0x22: {  	p1 =	slt.u32 s13, $0x2;
	s20 =	smov.u32 @p2 s2;
	p2 =	sne.s32 s13, s8  }
.Ltmp1:
0x23: {  	s19 =	simm.s32 @!p1 $0x2;
	(pc) =	sbr.rel @!p2 .LBB1_6-.Ltmp1, $4  }
0x24: {  	s15 =	smov.u32 s10;
	s16 =	smov.u32 s12;
	_ =	swait.ge @!p1 [sflag:s19], $0x4000  }
0x25: {  	p0 =	por !p0, !p0;
	[sflag:s19] =	ssyncset.done @!p1 $0x0;
	s10 =	smov.u32 s17  }
0x26: {  	s18 =	smov.u32 @p3 s1;
	s14 =	smov.u32 s11;
	[sflag:s19] =	ssyncadd.s32 @!p1 $0xFFFFC000  }
0x27: {  	s11 =	smov.u32 s18;
	s13 =	sadd.s32 $0x1, s13;
	s12 =	smov.u32 s20  }
.LBB1_1:
0x28: {  	p1 =	sge.u32 s13, s7;
	s31 =	sadd.s32 $0xFFFFFFFF, s13  }
0x29: {  	s17 =	sxor.u32 @!p1 $0xFFFFFFFF, s13;
	s18 =	sshll.u32 @!p1 s12, $0x14;
	s19 =	sshll.u32 @!p1 s11, $0x9  }
0x2a: {  	s20 =	sshll.u32 @!p1 s10, $0x4;
	s17 =	sshll.u32 @!p1 s17, $0xE;
	s18 =	sadd.s32 @!p1 s4, s18  }
0x2b: {  	s20 =	sand.u32 @!p1 $0x1F0, s20;
	s17 =	sand.u32 @!p1 $0x4000, s17;
	s18 =	sadd.s32 @!p1 s19, s18  }
0x2c: {  	s19 =	simm.s32 @!p1 $0x80;
	s18 =	sadd.s32 @!p1 s20, s18;
	s20 =	simm.s32 @!p1 $0x1000  }
0x2d: {  	[tilespmem:s17], [sflag:$0x1] =	stream.strided.gather @!p1 [hbm4b:s18+s19], $0x4000, s20, s19, $0x38;
	[tilespmem:$0x10100] =	vst v63  }
0x2e: {  	p1 =	sge.u32 s31, s7  }
.Ltmp2:
0x2f: {  	_ = 	snop;
	(pc) =	sbr.rel @p1 .LBB1_5-.Ltmp2, $1  }
0x30: {  	_ =	sdelay $0x3  }
0x31: {  	s17 =	simm.s32 $0x1  }
0x32: {  	_ =	swait.ge [sflag:s6], $0x4000;
	s17 =	simm.s32 @!p0 $0x0  }
0x33: {  	[sflag:s6] =	ssyncset.done $0x0;
	s18 =	sshll.u32 s17, $0xE  }
0x34: {  	[sflag:s6] =	ssyncadd.s32 $0xFFFFC000;
	s20 =	sor.u32 $0x40, s18  }
0x35: {  	s17 =	smul.u32 $0x10200, s17;
	v0 =	vld [tilespmem:s20+$0x30]  }
0x36: {  	v3 =	vld [tilespmem:s20+$0xFFFFFFD0]  }
0x37: {  	s17 =	sshrl.u32 s17, $0x2;
	v4 =	vld [tilespmem:s20+$0xFFFFFFE0]  }
0x38: {  	v5 =	vld [tilespmem:s20+$0xFFFFFFF0];
	s18 =	sor.u32 $0x8000, s17  }
0x39: {  	s31 =	sand.u32 $0x1, s13;
	v1 =	vld [tilespmem:s20+$0x0];
	s19 =	sadd.s32 $0x0, s18  }
0x3a: {  	v2 =	vld [tilespmem:s20+$0x10];
	s17 =	smul.u32 $0x10200, s31;
	[tilespmem:s19+$0x3870 ss:$0x81] =	vst.msk $0xffff, v0  }
0x3b: {  	[tilespmem:s19+$0x810 ss:$0x81] =	vst.msk $0xffff, v3;
	v3 =	vld [tilespmem:s20+$0x20]  }
0x3c: {  	s17 =	sshrl.u32 s17, $0x2;
	v0 =	vld [tilespmem:s20+$0xFFFFFFC0];
	[tilespmem:s19+$0x1020 ss:$0x81] =	vst.msk $0xffff, v4;
	s20 =	sadd.s32 $0x80, s20  }
0x3d: {  	s21 =	simm.s32 $0x4;
	s22 =	simm.s32 $0x8;
	s17 =	sor.u32 $0x8000, s17;
	[tilespmem:s19+$0x1830 ss:$0x81] =	vst.msk $0xffff, v5;
	v4 =	vld [tilespmem:s20+$0x30]  }
.LBB1_3:
0x3e: {  	p1 =	sne.s32 s22, $0x1FC;
	v5 =	vld [tilespmem:s20+$0xFFFFFFD0];
	[tilespmem:s19+$0x2040 ss:$0x81] =	vst.msk $0xffff, v1  }
0x3f: {  	v6 =	vld [tilespmem:s20+$0xFFFFFFE0];
	[tilespmem:s19+$0x2850 ss:$0x81] =	vst.msk $0xffff, v2  }
0x40: {  	s23 =	sshra.s32 s21, $0x2;
	s21 =	smov.u32 s22;
	v7 =	vld [tilespmem:s20+$0xFFFFFFF0];
	[tilespmem:s19+$0x3060 ss:$0x81] =	vst.msk $0xffff, v3  }
.Ltmp3:
0x41: {  	v1 =	vld [tilespmem:s20+$0x0];
	[tilespmem:s19+$0x0 ss:$0x81] =	vst.msk $0xffff, v0;
	s19 =	sadd.s32 s23, s18;
	(pc) =	sbr.rel @p1 .LBB1_3-.Ltmp3, $4  }
0x42: {  	v2 =	vld [tilespmem:s20+$0x10];
	[tilespmem:s19+$0x3870 ss:$0x81] =	vst.msk $0xffff, v4  }
0x43: {  	[tilespmem:s19+$0x810 ss:$0x81] =	vst.msk $0xffff, v5;
	v3 =	vld [tilespmem:s20+$0x20]  }
0x44: {  	v0 =	vld [tilespmem:s20+$0xFFFFFFC0];
	[tilespmem:s19+$0x1020 ss:$0x81] =	vst.msk $0xffff, v6;
	s20 =	sadd.s32 $0x80, s20  }
0x45: {  	s22 =	sadd.s32 $0x4, s22;
	v4 =	vld [tilespmem:s20+$0x30];
	[tilespmem:s19+$0x1830 ss:$0x81] =	vst.msk $0xffff, v7  }
.Ltmp4:
0x46: {  	_ = 	snop;
	(pc) =	sbr.rel .LBB1_4-.Ltmp4, $1  }
0x47: {  	_ =	sdelay $0x3  }
.LBB1_6:
0x48: {  	_ =	sfence.sel $0x180000  }
0x49: {  	s1 =	simm.s32 $0x1;
	[bflag:$0x0] =	sbarrier.arrive $0xFFFF  }
0x4a: {  	s31 =	simm.s32 $0x2;
	[sflag:s1] =	ssyncpa.u1 $0x1  }
0x4b: {  	[sflag:s31] =	ssyncpa.u1 $0x1  }
0x4c: {  	p0 =	sne.s32 s0, $0x0;
	_ =	strace $0x9000004A  }
0x4d: {  	s0 =	sadd.s32 @!p0 $0x100000, s3;
	[bflag:$0x2] =	sbarrier.arrive $0xFFFF  }
0x4e: {  	[sflag:s0] =	ssyncadd.tile.s32 @!p0 $0x1;
	_ =	shalt  }
.Lfunc_end1:
_tile_overlayer_lowered:
.L_overlay_start_2:
0x4f: {  	(tag) =	ssettag $0x2  }
0x50: {  	s0 =	rddreg [dreg:$0x0];
	s2 =	stileid.u32  }
0x51: {  	s1 =	rddreg [dreg:$0x1];
	p0 =	sne.s32 s2, $0x0  }
0x52: {  	s3 =	rddreg [dreg:$0x2];
	[bflag:$0x3] =	sbarrier.arrive $0xFFFF;
	s2 =	simm.s32 @!p0 $0x1C01  }
0x53: {  	[timem:s3], [sflag:s2] =	dma.local @!p0 [hbm:s0], s1  }
0x54: {  	s0 =	simm.s32 @!p0 $0x1  }
0x55: {  	_ =	swait.ge @!p0 [sflag:s0], s1  }
0x56: {  	s1 =	ssub.s32 @!p0 $0x0, s1;
	[sflag:s0] =	ssyncset.done @!p0 $0x0  }
0x57: {  	[sflag:s0] =	ssyncadd.s32 @!p0 s1  }
0x58: {  	[bflag:$0x3] =	sbarrier.arrive $0xFFFF  }
0x59: {  	_ =	shalt  }

// kernel: sparse-core-data-format-call.3.cloned.1.call-start
scs
called_computation.3_lowered:
.L_overlay_start_0:
0x0: {  	s2 =	sld [smem:$0x3FD9]  }
0x1: {  	s3 =	sld [smem:$0x3FFE];
	_ =	sdelay $0x1  }
0x2: {  	s1 =	srdreg.scid  }
0x3: {  	s0 =	sand.u32 $0x1, s1  }
0x4: {  	s18 =	sshll.u32 s0, $0xA;
	s2 =	sadd.s32 s3, s2  }
0x5: {  	s2 =	sadd.s32 s2, s18  }
0x6: {  	[smem:$0x3FB9] =	sst s2  }
0x7: {  	_ = 	snop  }
0x8: {  	s19 =	sld [smem:$0x3FD0];
	(tm) =	ssettm $0x1  }
0x9: {  	s20 =	sld [smem:$0x3FFB];
	_ =	sdelay $0x3  }
0xa: {  	_ =	strace s20  }
0xb: {  	s2 =	sld [smem:$0x3FFC];
	_ =	sdelay $0x3  }
0xc: {  	_ =	strace s2  }
0xd: {  	s2 =	sld [smem:$0x3FFD];
	_ =	sdelay $0x3  }
0xe: {  	_ =	strace s2  }
0xf: {  	_ =	strace $0x8FFFFFFF  }
0x10: {  	s21 =	sld [smem:$0x3FDB];
	_ =	sdelay $0x1  }
0x11: {  	s4 =	simm.s32 $_scs_section_size  }
0x12: {  	s5 =	simm.s32 $_size__tile_overlayer_lowered;
	s6 =	simm.s32 $_tile_overlayer_lowered  }
0x13: {  	s7 =	simm.s32 $0x1BFF;
	s22 =	sshll.u32 s6, $0x1;
	s4 =	sadd.s32 s4, s21  }
0x14: {  	s23 =	simm.s32 $0x0;
	s5 =	sshll.u32 s5, $0x1;
	s6 =	sadd.s32 s22, s4  }
0x15: {  	[timem:s23], [sflag:s7] =	dma.local [hbm:s6], s5  }
0x16: {  	_ =	swait.ge [sflag:s7], s5  }
0x17: {  	s5 =	ssub.s32 $0x0, s5;
	[sflag:s7] =	ssyncset.done $0x0  }
0x18: {  	[sflag:s7] =	ssyncadd.s32 s5;
	_ =	sdelay $0x1  }
0x19: {  	s24 =	simm.s32 $0x1B8B  }
0x1a: {  	_ =	swait.ge [sflag:s24], $0x1  }
0x1b: {  	[sflag:s24] =	ssyncset.done $0x0  }
0x1c: {  	[sflag:s24] =	ssyncadd.s32 $0xFFFFFFFF  }
0x1d: {  	s5 =	sld [smem:$0x0]  }
0x1e: {  	s6 =	sand.u32 $0xFFFFFFFE, s1  }
0x1f: {  	p0 =	sne.s32 s1, s6  }
0x20: {  	s6 =	sshll.u32 @p0 s6, $0xE  }
0x21: {  	s6 =	sadd.s32 @p0 $0x11B8D, s6;
	s7 =	sshll.u32 @p0 s5, $0x11  }
0x22: {  	s6 =	sor.u32 @p0 s7, s6  }
0x23: {  	[sflag:s6] =	ssyncadd.remote.s32 @p0 $0x1;
	_ =	sdelay $0x1  }
0x24: {  	s6 =	simm.s32 @p0 $0x1B8D  }
0x25: {  	_ =	swait.eq @p0 [sflag:s6], $0x1  }
0x26: {  	[sflag:s6] =	ssyncadd.s32 @p0 $0xFFFFFFFF  }
0x27: {  	s7 =	sshll.u32 @!p0 s1, $0xE  }
0x28: {  	s7 =	sor.u32 @!p0 $0x4000, s7;
	s6 =	simm.s32 @!p0 $0x1B8D  }
0x29: {  	s5 =	sshll.u32 @!p0 s5, $0x11;
	s7 =	sadd.s32 @!p0 $0x11B8D, s7;
	_ =	swait.eq @!p0 [sflag:s6], $0x1  }
0x2a: {  	s5 =	sor.u32 @!p0 s5, s7;
	[sflag:s6] =	ssyncadd.s32 @!p0 $0xFFFFFFFF  }
0x2b: {  	s26 =	simm.s32 $0x1B8E;
	s25 =	sld [smem:$0x3FFE];
	[sflag:s5] =	ssyncadd.remote.s32 @!p0 $0x1  }
0x2c: {  	s27 =	simm.s32 $execute0_lowered;
	[smem:$0x3FD2] =	sst s26  }
0x2d: {  	s6 =	sshll.u32 s27, $0x1;
	_ =	strace $0x8000004C;
	[dreg:$0x1] =	wrdreg $0xFFFFFFFF  }
0x2e: {  	s28 =	simm.s32 $_size_execute0_lowered;
	s4 =	sadd.s32 s4, s6;
	[dreg:$0x0] =	wrdreg $0x0  }
0x2f: {  	s6 =	sshll.u32 s28, $0x1;
	[dreg:$0x2] =	wrdreg s4  }
0x30: {  	[dreg:$0x3] =	wrdreg s6  }
0x31: {  	[dreg:$0x4] =	wrdreg $0xC0  }
0x32: {  	_ =	task [dreg:s23], $0x5FFFF  }
0x33: {  	[dreg:$0x1] =	wrdreg $0xFFFFFFFF  }
0x34: {  	[dreg:$0x0] =	wrdreg $0x60  }
0x35: {  	[dreg:$0x2] =	wrdreg s19  }
0x36: {  	[dreg:$0x3] =	wrdreg s25  }
0x37: {  	[dreg:$0x4] =	wrdreg $0xA  }
0x38: {  	_ =	task.clear_ibuf [dreg:s23], $0x5FFFF;
	_ =	strace $0x9000004C  }
0x39: {  	s29 =	simm.s32 $0xA;
	_ =	strace $0x8000004E  }
0x3a: {  	_ =	swait.ge [sflag:s29], $0x1  }
0x3b: {  	[sflag:s29] =	ssyncadd.s32 $0xFFFFFFFF  }
0x3c: {  	_ =	strace $0x9000004E  }
0x3d: {  	_ =	sfence  }
0x3e: {  	s30 =	sld [smem:$0x0];
	_ =	sdelay $0x2  }
0x3f: {  	s31 =	sshll.u32 s1, $0xD;
	s1 =	sshrl.u32 s1, $0x2  }
0x40: {  	s4 =	sand.u32 $0x4000, s31;
	s1 =	sadd.s32 s1, s30  }
0x41: {  	s0 =	sor.u32 s4, s0;
	s1 =	sshll.u32 s1, $0x11  }
0x42: {  	s0 =	sor.u32 s1, s0  }
0x43: {  	s0 =	sadd.s32 $0x8F2B, s0  }
0x44: {  	[sflag:s0] =	ssyncadd.remote.s32 $0x1  }
0x45: {  	_ =	sfence.sel $0xFFFF  }
0x46: {  	[dreg:$0x0] =	wrdreg $0xFFFFFFFF;
	(pc) =	sbr.abs _section_cstart, $3  }
0x47: {  	[dreg:$0x1] =	wrdreg $0xFFFFFFFF  }
0x48: {  	_ =	task.clear_ibuf [dreg:s23], $0x2FFFF;
	_ =	strace $0x9FFFFFFF  }
0x49: {  	(tm) =	ssettm $0x7FFFFFFF  }
tec
execute0_lowered:
.L_overlay_start_1:
0x0: {  	(tag) =	ssettag $0x1  }
0x1: {  	s0 =	stileid.u32;
	s3 =	rddreg [dreg:$0x0]  }
0x2: {  	s1 =	srdreg.scid;
	s8 =	rddreg [dreg:$0x1]  }
0x3: {  	s31 =	simm.s32 $0x2;
	s2 =	sshll.u32 s0, $0x6;
	s1 =	sshll.u32 s1, $0xA  }
0x4: {  	s15 =	simm.s32 $0x0;
	s9 =	simm.s32 $0x1000;
	s1 =	sor.u32 s2, s1  }
0x5: {  	s14 =	simm.s32 $0x0;
	s16 =	simm.s32 $0x0;
	s1 =	sand.u32 $0x780, s1  }
0x6: {  	s10 =	simm.s32 $0x0;
	s2 =	sand.u32 $0x1, s0;
	s4 =	ssub.s32 $0x800, s1  }
0x7: {  	s13 =	simm.s32 $0x0;
	s5 =	ssub.s32 $0x2, s2;
	s6 =	sand.u32 $0x780, s4  }
0x8: {  	s7 =	sshrl.u32 s5, $0x1;
	p0 =	sne.s32 s6, $0x0;
	s6 =	simm.s32 $0x1  }
0x9: {  	s5 =	sand.u32 $0x1, s5;
	s4 =	sshrl.u32 s4, $0xB;
	s6 =	simm.s32 @!p0 $0x0  }
.Ltmp0:
0xa: {  	s5 =	sadd.s32 s5, s7;
	s6 =	sadd.s32 s6, s4;
	(pc) =	sbr.rel .LBB1_1-.Ltmp0, $4  }
0xb: {  	s12 =	smov.u32 s2;
	s11 =	smov.u32 s1;
	s7 =	smul.u32 s6, s5  }
0xc: {  	s4 =	rddreg [dreg:$0x2];
	_ =	strace $0x8000004D;
	s6 =	simm.s32 $0x1  }
0xd: {  	p0 =	por $0x0, $0x0;
	[sflag:s6] =	ssyncpa.u1 $0x0;
	s7 =	sshll.u32 s7, $0x5  }
0xe: {  	s5 =	sadd.s32 $0x403600, s8;
	[sflag:s31] =	ssyncpa.u1 $0x0;
	s8 =	sor.u32 $0x1, s7  }
.LBB1_4:
0xf: {  	v5 =	vld [tilespmem:s20+$0xFFFFFFD0];
	[tilespmem:s19+$0x2040 ss:$0x81] =	vst.msk $0xffff, v1  }
0x10: {  	v58 =	vld [tilespmem:s20+$0xFFFFFFE0];
	[tilespmem:s19+$0x2850 ss:$0x81] =	vst.msk $0xffff, v2  }
0x11: {  	s21 =	sshra.s32 s21, $0x2;
	v59 =	vld [tilespmem:s20+$0xFFFFFFF0];
	[tilespmem:s19+$0x3060 ss:$0x81] =	vst.msk $0xffff, v3  }
0x12: {  	v60 =	vld [tilespmem:s20+$0x0];
	[tilespmem:s19+$0x0 ss:$0x81] =	vst.msk $0xffff, v0;
	s18 =	sadd.s32 s21, s18  }
0x13: {  	v61 =	vld [tilespmem:s20+$0x10];
	[tilespmem:s18+$0x3870 ss:$0x81] =	vst.msk $0xffff, v4  }
0x14: {  	v62 =	vld [tilespmem:s20+$0x20];
	[tilespmem:s18+$0x810 ss:$0x81] =	vst.msk $0xffff, v5  }
0x15: {  	s16 =	sshll.u32 s16, $0x7;
	v63 =	vld [tilespmem:s20+$0xFFFFFFC0];
	s28 =	sand.u32 $0x78, s14;
	s29 =	sshll.u32 s14, $0x1;
	[tilespmem:s18+$0x1020 ss:$0x81] =	vst.msk $0xffff, v58  }
0x16: {  	s15 =	sshll.u32 s15, $0x10;
	s30 =	sshrl.u32 s14, $0x2;
	s16 =	sand.u32 $0x80, s16;
	[tilespmem:s18+$0x1830 ss:$0x81] =	vst.msk $0xffff, v59  }
0x17: {  	s31 =	sand.u32 $0x7, s14;
	s20 =	sand.u32 $0x700, s29;
	s16 =	sor.u32 s16, s28;
	[tilespmem:s18+$0x2040 ss:$0x81] =	vst.msk $0xffff, v60  }
0x18: {  	s19 =	sand.u32 $0x100, s30;
	s15 =	sadd.s32 s5, s15;
	s16 =	sor.u32 s20, s16;
	[tilespmem:s18+$0x2850 ss:$0x81] =	vst.msk $0xffff, v61  }
0x19: {  	s14 =	sshll.u32 s31, $0x12;
	s15 =	sadd.s32 s19, s15;
	s16 =	sshrl.u32 s16, $0x3;
	[tilespmem:s18+$0x3060 ss:$0x81] =	vst.msk $0xffff, v62  }
0x1a: {  	s14 =	sor.u32 $0x80, s14;
	[tilespmem:s18+$0x0 ss:$0x81] =	vst.msk $0xffff, v63;
	s15 =	sadd.s32 s16, s15  }
0x1b: {  	[hbm4b:s15+s14] =	stream.strided.scatter [tilespmem:s17], [sflag:$0x2], $0x4000, s9, s14, $0x20;
	[tilespmem:$0x10100] =	vst v63  }
.LBB1_5:
0x1c: {  	s17 =	sadd.s32 $0x1, s10  }
0x1d: {  	s14 =	sadd.s32 $0x800, s11;
	s18 =	smov.u32 s11;
	p2 =	sgt.s32 s17, $0x1F  }
0x1e: {  	s18 =	smov.u32 @p2 s14  }
0x1f: {  	s20 =	smov.u32 s12;
	s14 =	sadd.s32 $0x2, s12;
	p3 =	sgt.s32 s18, $0x7FF  }
0x20: {  	s20 =	smov.u32 @p3 s14  }
0x21: {  	s17 =	simm.s32 @p2 $0x0;
	p2 =	sgt.s32 s20, $0x1  }
0x22: {  	p1 =	slt.u32 s13, $0x2;
	s20 =	smov.u32 @p2 s2;
	p2 =	sne.s32 s13, s8  }
.Ltmp1:
0x23: {  	s19 =	simm.s32 @!p1 $0x2;
	(pc) =	sbr.rel @!p2 .LBB1_6-.Ltmp1, $4  }
0x24: {  	s15 =	smov.u32 s10;
	s16 =	smov.u32 s12;
	_ =	swait.ge @!p1 [sflag:s19], $0x4000  }
0x25: {  	p0 =	por !p0, !p0;
	[sflag:s19] =	ssyncset.done @!p1 $0x0;
	s10 =	smov.u32 s17  }
0x26: {  	s18 =	smov.u32 @p3 s1;
	s14 =	smov.u32 s11;
	[sflag:s19] =	ssyncadd.s32 @!p1 $0xFFFFC000  }
0x27: {  	s11 =	smov.u32 s18;
	s13 =	sadd.s32 $0x1, s13;
	s12 =	smov.u32 s20  }
.LBB1_1:
0x28: {  	p1 =	sge.u32 s13, s7;
	s31 =	sadd.s32 $0xFFFFFFFF, s13  }
0x29: {  	s17 =	sxor.u32 @!p1 $0xFFFFFFFF, s13;
	s18 =	sshll.u32 @!p1 s12, $0x14;
	s19 =	sshll.u32 @!p1 s11, $0x9  }
0x2a: {  	s20 =	sshll.u32 @!p1 s10, $0x4;
	s17 =	sshll.u32 @!p1 s17, $0xE;
	s18 =	sadd.s32 @!p1 s3, s18  }
0x2b: {  	s20 =	sand.u32 @!p1 $0x1F0, s20;
	s17 =	sand.u32 @!p1 $0x4000, s17;
	s18 =	sadd.s32 @!p1 s19, s18  }
0x2c: {  	s19 =	simm.s32 @!p1 $0x80;
	s18 =	sadd.s32 @!p1 s20, s18;
	s20 =	simm.s32 @!p1 $0x1000  }
0x2d: {  	[tilespmem:s17], [sflag:$0x1] =	stream.strided.gather @!p1 [hbm4b:s18+s19], $0x4000, s20, s19, $0x38;
	[tilespmem:$0x10100] =	vst v63  }
0x2e: {  	p1 =	sge.u32 s31, s7  }
.Ltmp2:
0x2f: {  	_ = 	snop;
	(pc) =	sbr.rel @p1 .LBB1_5-.Ltmp2, $1  }
0x30: {  	_ =	sdelay $0x3  }
0x31: {  	s17 =	simm.s32 $0x1  }
0x32: {  	_ =	swait.ge [sflag:s6], $0x4000;
	s17 =	simm.s32 @!p0 $0x0  }
0x33: {  	[sflag:s6] =	ssyncset.done $0x0;
	s18 =	sshll.u32 s17, $0xE  }
0x34: {  	[sflag:s6] =	ssyncadd.s32 $0xFFFFC000;
	s20 =	sor.u32 $0x40, s18  }
0x35: {  	s17 =	smul.u32 $0x10200, s17;
	v0 =	vld [tilespmem:s20+$0x30]  }
0x36: {  	v3 =	vld [tilespmem:s20+$0xFFFFFFD0]  }
0x37: {  	s17 =	sshrl.u32 s17, $0x2;
	v4 =	vld [tilespmem:s20+$0xFFFFFFE0]  }
0x38: {  	v5 =	vld [tilespmem:s20+$0xFFFFFFF0];
	s18 =	sor.u32 $0x8000, s17  }
0x39: {  	s31 =	sand.u32 $0x1, s13;
	v1 =	vld [tilespmem:s20+$0x0];
	s19 =	sadd.s32 $0x0, s18  }
0x3a: {  	v2 =	vld [tilespmem:s20+$0x10];
	s17 =	smul.u32 $0x10200, s31;
	[tilespmem:s19+$0x3870 ss:$0x81] =	vst.msk $0xffff, v0  }
0x3b: {  	[tilespmem:s19+$0x810 ss:$0x81] =	vst.msk $0xffff, v3;
	v3 =	vld [tilespmem:s20+$0x20]  }
0x3c: {  	s17 =	sshrl.u32 s17, $0x2;
	v0 =	vld [tilespmem:s20+$0xFFFFFFC0];
	[tilespmem:s19+$0x1020 ss:$0x81] =	vst.msk $0xffff, v4;
	s20 =	sadd.s32 $0x80, s20  }
0x3d: {  	s21 =	simm.s32 $0x4;
	s22 =	simm.s32 $0x8;
	s17 =	sor.u32 $0x8000, s17;
	[tilespmem:s19+$0x1830 ss:$0x81] =	vst.msk $0xffff, v5;
	v4 =	vld [tilespmem:s20+$0x30]  }
.LBB1_3:
0x3e: {  	p1 =	sne.s32 s22, $0x1FC;
	v5 =	vld [tilespmem:s20+$0xFFFFFFD0];
	[tilespmem:s19+$0x2040 ss:$0x81] =	vst.msk $0xffff, v1  }
0x3f: {  	v6 =	vld [tilespmem:s20+$0xFFFFFFE0];
	[tilespmem:s19+$0x2850 ss:$0x81] =	vst.msk $0xffff, v2  }
0x40: {  	s23 =	sshra.s32 s21, $0x2;
	s21 =	smov.u32 s22;
	v7 =	vld [tilespmem:s20+$0xFFFFFFF0];
	[tilespmem:s19+$0x3060 ss:$0x81] =	vst.msk $0xffff, v3  }
.Ltmp3:
0x41: {  	v1 =	vld [tilespmem:s20+$0x0];
	[tilespmem:s19+$0x0 ss:$0x81] =	vst.msk $0xffff, v0;
	s19 =	sadd.s32 s23, s18;
	(pc) =	sbr.rel @p1 .LBB1_3-.Ltmp3, $4  }
0x42: {  	v2 =	vld [tilespmem:s20+$0x10];
	[tilespmem:s19+$0x3870 ss:$0x81] =	vst.msk $0xffff, v4  }
0x43: {  	[tilespmem:s19+$0x810 ss:$0x81] =	vst.msk $0xffff, v5;
	v3 =	vld [tilespmem:s20+$0x20]  }
0x44: {  	v0 =	vld [tilespmem:s20+$0xFFFFFFC0];
	[tilespmem:s19+$0x1020 ss:$0x81] =	vst.msk $0xffff, v6;
	s20 =	sadd.s32 $0x80, s20  }
0x45: {  	s22 =	sadd.s32 $0x4, s22;
	v4 =	vld [tilespmem:s20+$0x30];
	[tilespmem:s19+$0x1830 ss:$0x81] =	vst.msk $0xffff, v7  }
.Ltmp4:
0x46: {  	_ = 	snop;
	(pc) =	sbr.rel .LBB1_4-.Ltmp4, $1  }
0x47: {  	_ =	sdelay $0x3  }
.LBB1_6:
0x48: {  	_ =	sfence.sel $0x180000  }
0x49: {  	s1 =	simm.s32 $0x1;
	[bflag:$0x0] =	sbarrier.arrive $0xFFFF  }
0x4a: {  	s31 =	simm.s32 $0x2;
	[sflag:s1] =	ssyncpa.u1 $0x1  }
0x4b: {  	[sflag:s31] =	ssyncpa.u1 $0x1  }
0x4c: {  	p0 =	sne.s32 s0, $0x0;
	_ =	strace $0x9000004D  }
0x4d: {  	s0 =	sadd.s32 @!p0 $0x100000, s4;
	[bflag:$0x2] =	sbarrier.arrive $0xFFFF  }
0x4e: {  	[sflag:s0] =	ssyncadd.tile.s32 @!p0 $0x1;
	_ =	shalt  }
.Lfunc_end1:
_tile_overlayer_lowered:
.L_overlay_start_2:
0x4f: {  	(tag) =	ssettag $0x2  }
0x50: {  	s0 =	rddreg [dreg:$0x0];
	s2 =	stileid.u32  }
0x51: {  	s1 =	rddreg [dreg:$0x1];
	p0 =	sne.s32 s2, $0x0  }
0x52: {  	s3 =	rddreg [dreg:$0x2];
	[bflag:$0x3] =	sbarrier.arrive $0xFFFF;
	s2 =	simm.s32 @!p0 $0x1C01  }
0x53: {  	[timem:s3], [sflag:s2] =	dma.local @!p0 [hbm:s0], s1  }
0x54: {  	s0 =	simm.s32 @!p0 $0x1  }
0x55: {  	_ =	swait.ge @!p0 [sflag:s0], s1  }
0x56: {  	s1 =	ssub.s32 @!p0 $0x0, s1;
	[sflag:s0] =	ssyncset.done @!p0 $0x0  }
0x57: {  	[sflag:s0] =	ssyncadd.s32 @!p0 s1  }
0x58: {  	[bflag:$0x3] =	sbarrier.arrive $0xFFFF  }
0x59: {  	_ =	shalt  }

// kernel: sparse-core-data-format-call.4.cloned.1.call-start
scs
called_computation.4_lowered:
.L_overlay_start_0:
0x0: {  	s2 =	sld [smem:$0x3FD9]  }
0x1: {  	s3 =	sld [smem:$0x3FFE];
	_ =	sdelay $0x1  }
0x2: {  	s1 =	srdreg.scid  }
0x3: {  	s0 =	sand.u32 $0x1, s1  }
0x4: {  	s18 =	sshll.u32 s0, $0xA;
	s2 =	sadd.s32 s3, s2  }
0x5: {  	s2 =	sadd.s32 s2, s18  }
0x6: {  	[smem:$0x3FB9] =	sst s2  }
0x7: {  	_ = 	snop  }
0x8: {  	s2 =	sld [smem:$0x3FD0];
	(tm) =	ssettm $0x1  }
0x9: {  	s19 =	sld [smem:$0x3FFB];
	_ =	sdelay $0x3  }
0xa: {  	_ =	strace s19  }
0xb: {  	s3 =	sld [smem:$0x3FFC];
	_ =	sdelay $0x3  }
0xc: {  	_ =	strace s3  }
0xd: {  	s3 =	sld [smem:$0x3FFD];
	_ =	sdelay $0x3  }
0xe: {  	_ =	strace s3  }
0xf: {  	_ =	strace $0x8FFFFFFF  }
0x10: {  	s20 =	sld [smem:$0x3FDB];
	_ =	sdelay $0x1  }
0x11: {  	s4 =	simm.s32 $_scs_section_size  }
0x12: {  	s5 =	simm.s32 $_size__tile_overlayer_lowered;
	s6 =	simm.s32 $_tile_overlayer_lowered  }
0x13: {  	s23 =	simm.s32 $0x1BFF;
	s22 =	sshll.u32 s6, $0x1;
	s3 =	sadd.s32 s4, s20  }
0x14: {  	s7 =	simm.s32 $0x0;
	s21 =	sshll.u32 s5, $0x1;
	s5 =	sadd.s32 s22, s3  }
0x15: {  	[timem:s7], [sflag:s23] =	dma.local [hbm:s5], s21  }
0x16: {  	_ =	swait.ge [sflag:s23], s21  }
0x17: {  	s4 =	ssub.s32 $0x0, s21;
	[sflag:s23] =	ssyncset.done $0x0  }
0x18: {  	[sflag:s23] =	ssyncadd.s32 s4;
	_ =	sdelay $0x1  }
0x19: {  	s24 =	simm.s32 $0x1B8B  }
0x1a: {  	_ =	swait.ge [sflag:s24], $0x1  }
0x1b: {  	[sflag:s24] =	ssyncset.done $0x0  }
0x1c: {  	s26 =	simm.s32 $0x1B8E;
	s25 =	sld [smem:$0x3FFE];
	[sflag:s24] =	ssyncadd.s32 $0xFFFFFFFF  }
0x1d: {  	s27 =	simm.s32 $execute0_lowered;
	[smem:$0x3FD2] =	sst s26  }
0x1e: {  	s5 =	sshll.u32 s27, $0x1;
	_ =	strace $0x80000046;
	[dreg:$0x1] =	wrdreg $0xFFFFFFFF  }
0x1f: {  	s28 =	simm.s32 $_size_execute0_lowered;
	s3 =	sadd.s32 s3, s5;
	[dreg:$0x0] =	wrdreg $0x0  }
0x20: {  	s5 =	sshll.u32 s28, $0x1;
	[dreg:$0x2] =	wrdreg s3  }
0x21: {  	[dreg:$0x3] =	wrdreg s5  }
0x22: {  	[dreg:$0x4] =	wrdreg $0xC0  }
0x23: {  	_ =	task [dreg:s7], $0x5FFFF  }
0x24: {  	[dreg:$0x1] =	wrdreg $0xFFFFFFFF  }
0x25: {  	[dreg:$0x0] =	wrdreg $0x60  }
0x26: {  	[dreg:$0x2] =	wrdreg s2  }
0x27: {  	[dreg:$0x3] =	wrdreg s25  }
0x28: {  	[dreg:$0x4] =	wrdreg $0x9  }
0x29: {  	_ =	task.clear_ibuf [dreg:s7], $0x5FFFF;
	_ =	strace $0x90000046  }
0x2a: {  	s29 =	simm.s32 $0x9;
	_ =	strace $0x80000048  }
0x2b: {  	_ =	swait.ge [sflag:s29], $0x1  }
0x2c: {  	[sflag:s29] =	ssyncadd.s32 $0xFFFFFFFF  }
0x2d: {  	_ =	strace $0x90000048  }
0x2e: {  	_ =	sfence  }
0x2f: {  	s30 =	sld [smem:$0x0];
	_ =	sdelay $0x2  }
0x30: {  	s31 =	sshll.u32 s1, $0xD;
	s1 =	sshrl.u32 s1, $0x2  }
0x31: {  	s3 =	sand.u32 $0x4000, s31;
	s1 =	sadd.s32 s1, s30  }
0x32: {  	s0 =	sor.u32 s3, s0;
	s1 =	sshll.u32 s1, $0x11  }
0x33: {  	s0 =	sor.u32 s1, s0  }
0x34: {  	s0 =	sadd.s32 $0x8F2B, s0  }
0x35: {  	[sflag:s0] =	ssyncadd.remote.s32 $0x1  }
0x36: {  	_ =	sfence.sel $0xFFFF  }
0x37: {  	[dreg:$0x0] =	wrdreg $0xFFFFFFFF;
	(pc) =	sbr.abs _section_cstart, $3  }
0x38: {  	[dreg:$0x1] =	wrdreg $0xFFFFFFFF  }
0x39: {  	_ =	task.clear_ibuf [dreg:s7], $0x2FFFF;
	_ =	strace $0x9FFFFFFF  }
0x3a: {  	(tm) =	ssettm $0x7FFFFFFF  }
0x3b: {  	_ =	shalt  }
tec
execute0_lowered:
.L_overlay_start_1:
0x0: {  	(tag) =	ssettag $0x1  }
0x1: {  	s2 =	rddreg [dreg:$0x0]  }
0x2: {  	s4 =	rddreg [dreg:$0x1]  }
0x3: {  	s0 =	stileid.u32;
	s1 =	rddreg [dreg:$0x2]  }
0x4: {  	s5 =	srdreg.scid;
	_ =	strace $0x80000047;
	s31 =	simm.s32 $0x2  }
0x5: {  	s17 =	simm.s32 $0x0;
	p0 =	por $0x0, $0x0;
	s15 =	simm.s32 $0x0  }
0x6: {  	s14 =	simm.s32 $0x0;
	s16 =	simm.s32 $0x0;
	s3 =	sand.u32 $0x1, s0  }
0x7: {  	s11 =	simm.s32 $0x0;
	s13 =	simm.s32 $0x0;
	s6 =	ssub.s32 $0x2, s3  }
0x8: {  	s5 =	sshll.u32 s5, $0x4;
	s4 =	sadd.s32 $0x3600, s4;
	s7 =	sshll.u32 s6, $0x1  }
.Ltmp0:
0x9: {  	s5 =	sand.u32 $0x10, s5;
	s7 =	sand.u32 $0x2, s7;
	(pc) =	sbr.rel .LBB1_1-.Ltmp0, $4  }
0xa: {  	s8 =	sor.u32 s0, s5;
	s5 =	simm.s32 $0x1;
	s6 =	sadd.s32 s6, s7  }
0xb: {  	s12 =	smov.u32 s3;
	[sflag:s5] =	ssyncpa.u1 $0x0;
	s9 =	sshll.u32 s6, $0x4  }
0xc: {  	[sflag:s31] =	ssyncpa.u1 $0x0;
	s6 =	sshrl.u32 s8, $0x1;
	s7 =	sand.u32 $0x60, s9  }
0xd: {  	s9 =	simm.s32 $0x0;
	s10 =	smov.u32 s6;
	s8 =	sor.u32 $0x1, s7  }
.LBB1_4:
0xe: {  	v5 =	vld [tilespmem:s20+$0xFFFFFFD0];
	[tilespmem:s21+$0x2040 ss:$0x81] =	vst.msk $0xffff, v1  }
0xf: {  	v58 =	vld [tilespmem:s20+$0xFFFFFFE0];
	[tilespmem:s21+$0x2850 ss:$0x81] =	vst.msk $0xffff, v2  }
0x10: {  	s22 =	sshra.s32 s22, $0x2;
	v59 =	vld [tilespmem:s20+$0xFFFFFFF0];
	[tilespmem:s21+$0x3060 ss:$0x81] =	vst.msk $0xffff, v3  }
0x11: {  	v60 =	vld [tilespmem:s20+$0x0];
	[tilespmem:s21+$0x0 ss:$0x81] =	vst.msk $0xffff, v0;
	s19 =	sadd.s32 s22, s19  }
0x12: {  	v61 =	vld [tilespmem:s20+$0x10];
	[tilespmem:s19+$0x3870 ss:$0x81] =	vst.msk $0xffff, v4  }
0x13: {  	s17 =	sshll.u32 s17, $0x7;
	s26 =	sshll.u32 s14, $0x3;
	v62 =	vld [tilespmem:s20+$0x20];
	[tilespmem:s19+$0x810 ss:$0x81] =	vst.msk $0xffff, v5  }
0x14: {  	v63 =	vld [tilespmem:s20+$0xFFFFFFC0];
	s16 =	sshll.u32 s16, $0x14;
	s27 =	sand.u32 $0x3FC00, s17;
	s21 =	sand.u32 $0x3FC00, s26;
	[tilespmem:s19+$0x1020 ss:$0x81] =	vst.msk $0xffff, v58  }
0x15: {  	s15 =	sshll.u32 s15, $0xF;
	s17 =	sand.u32 $0x380, s17;
	s28 =	sadd.s32 s21, s27;
	[tilespmem:s19+$0x1830 ss:$0x81] =	vst.msk $0xffff, v59  }
0x16: {  	s29 =	sshrl.u32 s14, $0x3;
	s16 =	sadd.s32 s4, s16;
	s17 =	sor.u32 s17, s28;
	[tilespmem:s19+$0x2040 ss:$0x81] =	vst.msk $0xffff, v60  }
0x17: {  	s20 =	sand.u32 $0xF, s29;
	s15 =	sadd.s32 s15, s16;
	s17 =	sshrl.u32 s17, $0x3;
	[tilespmem:s19+$0x2850 ss:$0x81] =	vst.msk $0xffff, v61  }
0x18: {  	s15 =	sadd.s32 s20, s15;
	[tilespmem:s19+$0x3060 ss:$0x81] =	vst.msk $0xffff, v62;
	s30 =	sand.u32 $0x7FF0, s17  }
0x19: {  	s31 =	sand.u32 $0x7, s14;
	[tilespmem:s19+$0x0 ss:$0x81] =	vst.msk $0xffff, v63;
	s15 =	sadd.s32 s30, s15  }
0x1a: {  	[hbm4b:s15+s31] =	stream.linear.scatter [tilespmem:s18], [sflag:$0x2], $0x4000, $0x20;
	[tilespmem:$0x10100] =	vst v63  }
.LBB1_5:
0x1b: {  	s18 =	sadd.s32 $0x80, s9  }
0x1c: {  	s14 =	sadd.s32 $0x10, s10;
	s19 =	smov.u32 s10;
	p2 =	sgt.s32 s18, $0x7FF  }
0x1d: {  	s19 =	smov.u32 @p2 s14  }
0x1e: {  	s20 =	smov.u32 s11;
	s14 =	sadd.s32 $0x80, s11;
	p3 =	sgt.s32 s19, $0x1F  }
0x1f: {  	s20 =	smov.u32 @p3 s14  }
0x20: {  	s21 =	smov.u32 s12;
	s14 =	sadd.s32 $0x2, s12;
	p4 =	sgt.s32 s20, $0x7F  }
0x21: {  	p1 =	slt.u32 s13, $0x2;
	s21 =	smov.u32 @p4 s14  }
0x22: {  	s17 =	smov.u32 s9;
	s18 =	simm.s32 @p2 $0x0;
	p2 =	sgt.s32 s21, $0x1  }
0x23: {  	s22 =	simm.s32 @!p1 $0x2;
	s21 =	smov.u32 @p2 s3;
	p2 =	sne.s32 s13, s8  }
.Ltmp1:
0x24: {  	s15 =	smov.u32 s10;
	_ =	swait.ge @!p1 [sflag:s22], $0x4000;
	(pc) =	sbr.rel @!p2 .LBB1_6-.Ltmp1, $4  }
0x25: {  	s16 =	smov.u32 s12;
	p0 =	por !p0, !p0;
	[sflag:s22] =	ssyncset.done @!p1 $0x0  }
0x26: {  	s9 =	smov.u32 s18;
	s19 =	smov.u32 @p3 s6;
	[sflag:s22] =	ssyncadd.s32 @!p1 $0xFFFFC000  }
0x27: {  	s10 =	smov.u32 s19;
	s20 =	simm.s32 @p4 $0x0;
	s14 =	smov.u32 s11  }
0x28: {  	s11 =	smov.u32 s20;
	s13 =	sadd.s32 $0x1, s13;
	s12 =	smov.u32 s21  }
.LBB1_1:
0x29: {  	p1 =	sge.u32 s13, s7  }
0x2a: {  	s31 =	sadd.s32 $0xFFFFFFFF, s13;
	s18 =	sxor.u32 @!p1 $0xFFFFFFFF, s13;
	s19 =	sand.u32 @!p1 $0x78, s9  }
0x2b: {  	s20 =	sshll.u32 @!p1 s10, $0x7;
	s21 =	sshll.u32 @!p1 s10, $0xB;
	s22 =	sshll.u32 @!p1 s9, $0x3  }
0x2c: {  	s18 =	sshll.u32 @!p1 s18, $0xE;
	s20 =	sand.u32 @!p1 $0x380, s20;
	s21 =	sand.u32 @!p1 $0xC000, s21  }
0x2d: {  	s18 =	sand.u32 @!p1 $0x4000, s18;
	s19 =	sor.u32 @!p1 s20, s19;
	s20 =	sand.u32 @!p1 $0x400, s22  }
0x2e: {  	s21 =	sadd.s32 @!p1 s21, s22;
	s19 =	sor.u32 @!p1 s20, s19;
	s20 =	sshll.u32 @!p1 s12, $0x14  }
0x2f: {  	s22 =	sshll.u32 @!p1 s11, $0xD;
	s21 =	sshrl.u32 @!p1 s21, $0x3;
	s20 =	sadd.s32 @!p1 s2, s20  }
0x30: {  	s21 =	sand.u32 @!p1 $0x1F00, s21;
	s20 =	sadd.s32 @!p1 s22, s20;
	s22 =	sand.u32 @!p1 $0x7, s9  }
0x31: {  	s19 =	sshrl.u32 @!p1 s19, $0x3;
	s20 =	sadd.s32 @!p1 s21, s20;
	s21 =	sshll.u32 @!p1 s22, $0x12  }
0x32: {  	s19 =	sadd.s32 @!p1 s19, s20;
	s20 =	sor.u32 @!p1 $0x80, s21;
	s21 =	simm.s32 @!p1 $0x10000  }
0x33: {  	[tilespmem:s18], [sflag:$0x1] =	stream.strided.gather @!p1 [hbm4b:s19+s20], $0x4000, s21, s20, $0x38;
	[tilespmem:$0x10100] =	vst v63  }
0x34: {  	p1 =	sge.u32 s31, s7  }
.Ltmp2:
0x35: {  	_ = 	snop;
	(pc) =	sbr.rel @p1 .LBB1_5-.Ltmp2, $1  }
0x36: {  	_ =	sdelay $0x3  }
0x37: {  	s18 =	simm.s32 $0x1  }
0x38: {  	_ =	swait.ge [sflag:s5], $0x4000;
	s18 =	simm.s32 @!p0 $0x0  }
0x39: {  	[sflag:s5] =	ssyncset.done $0x0;
	s19 =	sshll.u32 s18, $0xE  }
0x3a: {  	[sflag:s5] =	ssyncadd.s32 $0xFFFFC000;
	s20 =	sor.u32 $0x40, s19  }
0x3b: {  	s18 =	smul.u32 $0x10200, s18;
	v0 =	vld [tilespmem:s20+$0x30]  }
0x3c: {  	v3 =	vld [tilespmem:s20+$0xFFFFFFD0]  }
0x3d: {  	s18 =	sshrl.u32 s18, $0x2;
	v4 =	vld [tilespmem:s20+$0xFFFFFFE0]  }
0x3e: {  	v5 =	vld [tilespmem:s20+$0xFFFFFFF0];
	s19 =	sor.u32 $0x8000, s18  }
0x3f: {  	s31 =	sand.u32 $0x1, s13;
	v1 =	vld [tilespmem:s20+$0x0];
	s21 =	sadd.s32 $0x0, s19  }
0x40: {  	v2 =	vld [tilespmem:s20+$0x10];
	s18 =	smul.u32 $0x10200, s31;
	[tilespmem:s21+$0x3870 ss:$0x81] =	vst.msk $0xffff, v0  }
0x41: {  	[tilespmem:s21+$0x810 ss:$0x81] =	vst.msk $0xffff, v3;
	v3 =	vld [tilespmem:s20+$0x20]  }
0x42: {  	s18 =	sshrl.u32 s18, $0x2;
	v0 =	vld [tilespmem:s20+$0xFFFFFFC0];
	[tilespmem:s21+$0x1020 ss:$0x81] =	vst.msk $0xffff, v4;
	s20 =	sadd.s32 $0x80, s20  }
0x43: {  	s22 =	simm.s32 $0x4;
	s23 =	simm.s32 $0x8;
	s18 =	sor.u32 $0x8000, s18;
	[tilespmem:s21+$0x1830 ss:$0x81] =	vst.msk $0xffff, v5;
	v4 =	vld [tilespmem:s20+$0x30]  }
.LBB1_3:
0x44: {  	p1 =	sne.s32 s23, $0x1FC;
	v5 =	vld [tilespmem:s20+$0xFFFFFFD0];
	[tilespmem:s21+$0x2040 ss:$0x81] =	vst.msk $0xffff, v1  }
0x45: {  	v6 =	vld [tilespmem:s20+$0xFFFFFFE0];
	[tilespmem:s21+$0x2850 ss:$0x81] =	vst.msk $0xffff, v2  }
0x46: {  	s24 =	sshra.s32 s22, $0x2;
	s22 =	smov.u32 s23;
	v7 =	vld [tilespmem:s20+$0xFFFFFFF0];
	[tilespmem:s21+$0x3060 ss:$0x81] =	vst.msk $0xffff, v3  }
.Ltmp3:
0x47: {  	v1 =	vld [tilespmem:s20+$0x0];
	[tilespmem:s21+$0x0 ss:$0x81] =	vst.msk $0xffff, v0;
	s21 =	sadd.s32 s24, s19;
	(pc) =	sbr.rel @p1 .LBB1_3-.Ltmp3, $4  }
0x48: {  	v2 =	vld [tilespmem:s20+$0x10];
	[tilespmem:s21+$0x3870 ss:$0x81] =	vst.msk $0xffff, v4  }
0x49: {  	[tilespmem:s21+$0x810 ss:$0x81] =	vst.msk $0xffff, v5;
	v3 =	vld [tilespmem:s20+$0x20]  }
0x4a: {  	v0 =	vld [tilespmem:s20+$0xFFFFFFC0];
	[tilespmem:s21+$0x1020 ss:$0x81] =	vst.msk $0xffff, v6;
	s20 =	sadd.s32 $0x80, s20  }
0x4b: {  	s23 =	sadd.s32 $0x4, s23;
	v4 =	vld [tilespmem:s20+$0x30];
	[tilespmem:s21+$0x1830 ss:$0x81] =	vst.msk $0xffff, v7  }
.Ltmp4:
0x4c: {  	_ = 	snop;
	(pc) =	sbr.rel .LBB1_4-.Ltmp4, $1  }
0x4d: {  	_ =	sdelay $0x3  }
.LBB1_6:
0x4e: {  	_ =	sfence.sel $0x180000  }
0x4f: {  	s2 =	simm.s32 $0x1;
	[bflag:$0x0] =	sbarrier.arrive $0xFFFF  }
0x50: {  	s31 =	simm.s32 $0x2;
	[sflag:s2] =	ssyncpa.u1 $0x1  }
0x51: {  	[sflag:s31] =	ssyncpa.u1 $0x1  }
0x52: {  	p0 =	sne.s32 s0, $0x0;
	_ =	strace $0x90000047  }
0x53: {  	s0 =	sadd.s32 @!p0 $0x100000, s1;
	[bflag:$0x2] =	sbarrier.arrive $0xFFFF  }
0x54: {  	[sflag:s0] =	ssyncadd.tile.s32 @!p0 $0x1;
	_ =	shalt  }
.Lfunc_end1:
_tile_overlayer_lowered:
.L_overlay_start_2:
0x55: {  	(tag) =	ssettag $0x2  }
0x56: {  	s0 =	rddreg [dreg:$0x0];
	s2 =	stileid.u32  }
0x57: {  	s1 =	rddreg [dreg:$0x1];
	p0 =	sne.s32 s2, $0x0  }
0x58: {  	s3 =	rddreg [dreg:$0x2];
	[bflag:$0x3] =	sbarrier.arrive $0xFFFF;
	s2 =	simm.s32 @!p0 $0x1C01  }
0x59: {  	[timem:s3], [sflag:s2] =	dma.local @!p0 [hbm:s0], s1  }
0x5a: {  	s0 =	simm.s32 @!p0 $0x1  }
0x5b: {  	_ =	swait.ge @!p0 [sflag:s0], s1  }
0x5c: {  	s1 =	ssub.s32 @!p0 $0x0, s1;
	[sflag:s0] =	ssyncset.done @!p0 $0x0  }
0x5d: {  	[sflag:s0] =	ssyncadd.s32 @!p0 s1  }
0x5e: {  	[bflag:$0x3] =	sbarrier.arrive $0xFFFF  }
0x5f: {  	_ =	shalt  }

// kernel: sparse-core-data-format-call.cloned.1.call-start
scs
called_computation_lowered:
.L_overlay_start_0:
0x0: {  	s1 =	sld [smem:$0x3FD9]  }
0x1: {  	s2 =	sld [smem:$0x3FFE];
	_ =	sdelay $0x1  }
0x2: {  	s3 =	srdreg.scid  }
0x3: {  	s0 =	sand.u32 $0x1, s3  }
0x4: {  	s17 =	sshll.u32 s0, $0xA;
	s1 =	sadd.s32 s2, s1  }
0x5: {  	s1 =	sadd.s32 s1, s17  }
0x6: {  	[smem:$0x3FB9] =	sst s1  }
0x7: {  	_ = 	snop  }
0x8: {  	(tm) =	ssettm $0x1  }
0x9: {  	s18 =	sld [smem:$0x3FFB];
	_ =	sdelay $0x3  }
0xa: {  	_ =	strace s18  }
0xb: {  	s1 =	sld [smem:$0x3FFC];
	_ =	sdelay $0x3  }
0xc: {  	_ =	strace s1  }
0xd: {  	s1 =	sld [smem:$0x3FFD];
	_ =	sdelay $0x3  }
0xe: {  	_ =	strace s1  }
0xf: {  	_ =	strace $0x8FFFFFFF  }
0x10: {  	s19 =	sld [smem:$0x3FDB];
	_ =	sdelay $0x1  }
0x11: {  	s20 =	simm.s32 $_scs_section_size  }
0x12: {  	s4 =	simm.s32 $_size__tile_overlayer_lowered;
	s5 =	simm.s32 $_tile_overlayer_lowered  }
0x13: {  	s23 =	simm.s32 $0x1BFF;
	s22 =	sshll.u32 s5, $0x1;
	s1 =	sadd.s32 s20, s19  }
0x14: {  	s6 =	simm.s32 $0x0;
	s21 =	sshll.u32 s4, $0x1;
	s4 =	sadd.s32 s22, s1  }
0x15: {  	[timem:s6], [sflag:s23] =	dma.local [hbm:s4], s21  }
0x16: {  	_ =	swait.ge [sflag:s23], s21  }
0x17: {  	s2 =	ssub.s32 $0x0, s21;
	[sflag:s23] =	ssyncset.done $0x0  }
0x18: {  	[sflag:s23] =	ssyncadd.s32 s2;
	_ =	sdelay $0x1  }
0x19: {  	s24 =	simm.s32 $0x1B8B  }
0x1a: {  	_ =	swait.ge [sflag:s24], $0x1  }
0x1b: {  	[sflag:s24] =	ssyncset.done $0x0  }
0x1c: {  	s26 =	simm.s32 $0x1B8E;
	s25 =	sld [smem:$0x3FFE];
	[sflag:s24] =	ssyncadd.s32 $0xFFFFFFFF  }
0x1d: {  	s27 =	simm.s32 $execute0_lowered;
	[smem:$0x3FD2] =	sst s26  }
0x1e: {  	s4 =	sshll.u32 s27, $0x1;
	_ =	strace $0x8000004F;
	[dreg:$0x1] =	wrdreg $0xFFFFFFFF  }
0x1f: {  	s28 =	simm.s32 $_size_execute0_lowered;
	s1 =	sadd.s32 s1, s4;
	[dreg:$0x0] =	wrdreg $0x0  }
0x20: {  	s4 =	sshll.u32 s28, $0x1;
	[dreg:$0x2] =	wrdreg s1  }
0x21: {  	[dreg:$0x3] =	wrdreg s4  }
0x22: {  	[dreg:$0x4] =	wrdreg $0xC0  }
0x23: {  	_ =	task [dreg:s6], $0x5FFFF  }
0x24: {  	[dreg:$0x1] =	wrdreg $0xFFFFFFFF  }
0x25: {  	[dreg:$0x0] =	wrdreg $0x60  }
0x26: {  	[dreg:$0x2] =	wrdreg s25  }
0x27: {  	[dreg:$0x3] =	wrdreg $0x9  }
0x28: {  	_ =	task.clear_ibuf [dreg:s6], $0x4FFFF;
	_ =	strace $0x9000004F  }
0x29: {  	s29 =	simm.s32 $0x9;
	_ =	strace $0x80000051  }
0x2a: {  	_ =	swait.ge [sflag:s29], $0x1  }
0x2b: {  	[sflag:s29] =	ssyncadd.s32 $0xFFFFFFFF  }
0x2c: {  	_ =	strace $0x90000051  }
0x2d: {  	_ =	sfence  }
0x2e: {  	s30 =	sld [smem:$0x0];
	_ =	sdelay $0x2  }
0x2f: {  	s31 =	sshll.u32 s3, $0xD;
	s3 =	sshrl.u32 s3, $0x2  }
0x30: {  	s2 =	sand.u32 $0x4000, s31;
	s1 =	sadd.s32 s3, s30  }
0x31: {  	s0 =	sor.u32 s2, s0;
	s1 =	sshll.u32 s1, $0x11  }
0x32: {  	s0 =	sor.u32 s1, s0  }
0x33: {  	s0 =	sadd.s32 $0x8F2B, s0  }
0x34: {  	[sflag:s0] =	ssyncadd.remote.s32 $0x1  }
0x35: {  	_ =	sfence.sel $0xFFFF  }
0x36: {  	[dreg:$0x0] =	wrdreg $0xFFFFFFFF;
	(pc) =	sbr.abs _section_cstart, $3  }
0x37: {  	[dreg:$0x1] =	wrdreg $0xFFFFFFFF  }
0x38: {  	_ =	task.clear_ibuf [dreg:s6], $0x2FFFF;
	_ =	strace $0x9FFFFFFF  }
0x39: {  	(tm) =	ssettm $0x7FFFFFFF  }
tec
execute0_lowered:
.L_overlay_start_1:
0x0: {  	(tag) =	ssettag $0x1  }
0x1: {  	s0 =	srdreg.scid;
	s5 =	rddreg [dreg:$0x0];
	s4 =	simm.s32 $0x1  }
0x2: {  	s8 =	simm.s32 $0x2;
	s13 =	simm.s32 $0x0;
	s1 =	sshll.u32 s0, $0x4  }
0x3: {  	s14 =	simm.s32 $0x0;
	s0 =	stileid.u32;
	s1 =	sand.u32 $0x10, s1  }
0x4: {  	s15 =	simm.s32 $0x0;
	s9 =	simm.s32 $0x0;
	s2 =	sor.u32 s0, s1  }
0x5: {  	s10 =	simm.s32 $0x0;
	s3 =	sadd.s32 $0x203600, s5;
	s2 =	sshll.u32 s2, $0x3  }
0x6: {  	s12 =	simm.s32 $0x0;
	s5 =	sadd.s32 $0x403600, s5;
	s6 =	ssub.s32 $0x1000, s2  }
.Ltmp0:
0x7: {  	s1 =	rddreg [dreg:$0x1];
	s7 =	sand.u32 $0xF8, s6;
	(pc) =	sbr.rel .LBB1_1-.Ltmp0, $4  }
0x8: {  	_ =	strace $0x80000050;
	p0 =	sne.s32 s7, $0x0;
	s7 =	simm.s32 $0x1  }
0x9: {  	[sflag:s4] =	ssyncpa.u1 $0x0;
	s6 =	sshrl.u32 s6, $0x8;
	s7 =	simm.s32 @!p0 $0x0  }
0xa: {  	[sflag:s8] =	ssyncpa.u1 $0x0;
	s8 =	simm.s32 $0x800000;
	s7 =	sadd.s32 s7, s6  }
0xb: {  	s11 =	smov.u32 s2;
	s6 =	sshll.u32 s7, $0x1;
	s7 =	sshllo.u32 s7, $0x1  }
.LBB1_9:
0xc: {  	s16 =	sadd.s32 $0x400, s9  }
0xd: {  	s13 =	sadd.s32 $0x2, s10;
	s17 =	smov.u32 s10;
	p1 =	sgt.s32 s16, $0x7FF  }
0xe: {  	s17 =	smov.u32 @p1 s13  }
0xf: {  	s19 =	smov.u32 s11;
	s13 =	sadd.s32 $0x100, s11;
	p2 =	sgt.s32 s17, $0x1  }
0x10: {  	s19 =	smov.u32 @p2 s13  }
0x11: {  	s16 =	simm.s32 @p1 $0x0;
	p1 =	sgt.s32 s19, $0xFFF  }
0x12: {  	p0 =	slt.u32 s12, $0x2;
	s19 =	smov.u32 @p1 s2;
	p1 =	sne.s32 s12, s7  }
.Ltmp1:
0x13: {  	s18 =	simm.s32 @!p0 $0x2;
	(pc) =	sbr.rel @!p1 .LBB1_10-.Ltmp1, $4  }
0x14: {  	s14 =	smov.u32 s10;
	_ =	swait.ge @!p0 [sflag:s18], $0x4000  }
0x15: {  	s15 =	smov.u32 s11;
	[sflag:s18] =	ssyncset.done @!p0 $0x0;
	s17 =	simm.s32 @p2 $0x0  }
0x16: {  	s13 =	smov.u32 s9;
	[sflag:s18] =	ssyncadd.s32 @!p0 $0xFFFFC000;
	s9 =	smov.u32 s16  }
0x17: {  	s10 =	smov.u32 s17;
	s12 =	sadd.s32 $0x1, s12;
	s11 =	smov.u32 s19  }
.LBB1_1:
0x18: {  	p0 =	sge.u32 s12, s6  }
0x19: {  	s16 =	sshll.u32 @!p0 s10, $0x7  }
0x1a: {  	s17 =	sand.u32 @!p0 $0x78, s9;
	s18 =	sshll.u32 @!p0 s9, $0x1;
	s16 =	sand.u32 @!p0 $0x80, s16  }
0x1b: {  	s31 =	sadd.s32 $0xFFFFFFFF, s12;
	s18 =	sand.u32 @!p0 $0x700, s18;
	s16 =	sor.u32 @!p0 s16, s17  }
0x1c: {  	s17 =	sshll.u32 @!p0 s11, $0x9;
	s16 =	sor.u32 @!p0 s18, s16;
	s18 =	sshrl.u32 @!p0 s9, $0x2  }
0x1d: {  	s19 =	sxor.u32 @!p0 $0xFFFFFFFF, s12;
	s17 =	sadd.s32 @!p0 s3, s17;
	s18 =	sand.u32 @!p0 $0x100, s18  }
0x1e: {  	s19 =	sshll.u32 @!p0 s19, $0xE;
	s17 =	sadd.s32 @!p0 s18, s17;
	s18 =	sand.u32 @!p0 $0x7, s9  }
0x1f: {  	s19 =	sand.u32 @!p0 $0x4000, s19;
	s16 =	sshrl.u32 @!p0 s16, $0x3;
	s18 =	sshll.u32 @!p0 s18, $0x12  }
0x20: {  	s16 =	sadd.s32 @!p0 s16, s17;
	s17 =	sor.u32 @!p0 $0x800, s18;
	s18 =	simm.s32 @!p0 $0x1000  }
0x21: {  	[tilespmem:s19], [sflag:$0x1] =	stream.strided.gather @!p0 [hbm4b:s16+s17], $0x4000, s18, s17, $0x38;
	[tilespmem:$0x10000] =	vst v63  }
0x22: {  	p0 =	sge.u32 s31, s6  }
.Ltmp2:
0x23: {  	_ = 	snop;
	(pc) =	sbr.rel @p0 .LBB1_9-.Ltmp2, $1  }
0x24: {  	_ =	sdelay $0x3  }
0x25: {  	_ =	swait.ge [sflag:s4], $0x4000;
	s16 =	sshll.u32 s12, $0xE  }
0x26: {  	[sflag:s4] =	ssyncset.done $0x0;
	s17 =	sand.u32 $0x4000, s16  }
0x27: {  	s18 =	simm.s32 $0x0;
	[sflag:s4] =	ssyncadd.s32 $0xFFFFC000;
	s16 =	sor.u32 $0x8000, s17  }
.LBB1_3:
0x28: {  	s21 =	sshll.u32 s18, $0xB  }
0x29: {  	s22 =	sshll.u32 s18, $0x7;
	p1 =	por $0x1, $0x1;
	v1 =	vmov s21  }
0x2a: {  	s19 =	sadd.s32 s21, s17;
	s20 =	sadd.s32 s22, s16;
	v0 =	vmov s22;
	s21 =	simm.s32 $0x0  }
.LBB1_4:
0x2b: {  	s22 =	sshll.u32 s21, $0x7  }
0x2c: {  	s25 =	sadd.s32 s22, s19  }
0x2d: {  	v2 =	vmov s25  }
0x2e: {  	s24 =	sshll.u32 s21, $0xD;
	p0 =	por p1, p1;
	s23 =	simm.s32 $0x0  }
0x2f: {  	p1 =	por $0x1, $0x1;
	s21 =	sadd.s32 s24, s16;
	s22 =	sadd.s32 s22, s17;
	v3 =	vmov s24  }
.LBB1_5:
0x30: {  	s23 =	sshll.u32 s23, $0x3  }
0x31: {  	s24 =	sshra.s32 s23, $0x2  }
0x32: {  	v4 =	vld.idx.msk [tilespmem:v2+s24+$0x0 ss:$0x1], $0xffff;
	s24 =	sadd.s32 s24, s22  }
0x33: {  	v5 =	vld.idx.msk [tilespmem:v1+s24+$0x10 ss:$0x1], $0xffff  }
0x34: {  	v6 =	vld.idx.msk [tilespmem:v1+s24+$0x20 ss:$0x1], $0xffff  }
0x35: {  	s23 =	sand.u32 $0x3FFFFFF8, s23;
	v7 =	vld.idx.msk [tilespmem:v1+s24+$0x30 ss:$0x1], $0xffff  }
0x36: {  	s25 =	sadd.s32 s23, s21;
	v8 =	vld.idx.msk [tilespmem:v1+s24+$0x40 ss:$0x1], $0xffff  }
0x37: {  	s23 =	sadd.s32 s23, s20;
	[tilespmem:v0+s25+$0x0 ss:$0x1] =	vst.idx.msk $0xffff, v4;
	v4 =	vld.idx.msk [tilespmem:v1+s24+$0x50 ss:$0x1], $0xffff  }
0x38: {  	[tilespmem:v3+s23+$0x10 ss:$0x1] =	vst.idx.msk $0xffff, v5;
	v5 =	vld.idx.msk [tilespmem:v1+s24+$0x60 ss:$0x1], $0xffff  }
0x39: {  	v49 =	vld.idx.msk [tilespmem:v1+s24+$0x70 ss:$0x1], $0xffff;
	[tilespmem:v3+s23+$0x20 ss:$0x1] =	vst.idx.msk $0xffff, v6  }
0x3a: {  	v50 =	vld.idx.msk [tilespmem:v1+s24+$0x100 ss:$0x1], $0xffff;
	[tilespmem:v3+s23+$0x30 ss:$0x1] =	vst.idx.msk $0xffff, v7  }
0x3b: {  	v51 =	vld.idx.msk [tilespmem:v1+s24+$0x110 ss:$0x1], $0xffff;
	[tilespmem:v3+s23+$0x40 ss:$0x1] =	vst.idx.msk $0xffff, v8  }
0x3c: {  	[tilespmem:v3+s23+$0x50 ss:$0x1] =	vst.idx.msk $0xffff, v4;
	v4 =	vld.idx.msk [tilespmem:v1+s24+$0x120 ss:$0x1], $0xffff  }
0x3d: {  	[tilespmem:v3+s23+$0x60 ss:$0x1] =	vst.idx.msk $0xffff, v5;
	v5 =	vld.idx.msk [tilespmem:v1+s24+$0x130 ss:$0x1], $0xffff  }
0x3e: {  	v52 =	vld.idx.msk [tilespmem:v1+s24+$0x140 ss:$0x1], $0xffff;
	[tilespmem:v3+s23+$0x70 ss:$0x1] =	vst.idx.msk $0xffff, v49  }
0x3f: {  	v53 =	vld.idx.msk [tilespmem:v1+s24+$0x150 ss:$0x1], $0xffff;
	[tilespmem:v0+s25+$0x400 ss:$0x1] =	vst.idx.msk $0xffff, v50  }
0x40: {  	v54 =	vld.idx.msk [tilespmem:v1+s24+$0x160 ss:$0x1], $0xffff;
	[tilespmem:v3+s23+$0x410 ss:$0x1] =	vst.idx.msk $0xffff, v51  }
0x41: {  	[tilespmem:v3+s23+$0x420 ss:$0x1] =	vst.idx.msk $0xffff, v4;
	v4 =	vld.idx.msk [tilespmem:v1+s24+$0x170 ss:$0x1], $0xffff  }
0x42: {  	[tilespmem:v3+s23+$0x430 ss:$0x1] =	vst.idx.msk $0xffff, v5;
	v5 =	vld.idx.msk [tilespmem:v1+s24+$0x200 ss:$0x1], $0xffff  }
0x43: {  	v55 =	vld.idx.msk [tilespmem:v1+s24+$0x210 ss:$0x1], $0xffff;
	[tilespmem:v3+s23+$0x440 ss:$0x1] =	vst.idx.msk $0xffff, v52  }
0x44: {  	v56 =	vld.idx.msk [tilespmem:v1+s24+$0x220 ss:$0x1], $0xffff;
	[tilespmem:v3+s23+$0x450 ss:$0x1] =	vst.idx.msk $0xffff, v53  }
0x45: {  	v57 =	vld.idx.msk [tilespmem:v1+s24+$0x230 ss:$0x1], $0xffff;
	[tilespmem:v3+s23+$0x460 ss:$0x1] =	vst.idx.msk $0xffff, v54  }
0x46: {  	[tilespmem:v3+s23+$0x470 ss:$0x1] =	vst.idx.msk $0xffff, v4;
	v4 =	vld.idx.msk [tilespmem:v1+s24+$0x240 ss:$0x1], $0xffff  }
0x47: {  	[tilespmem:v0+s25+$0x800 ss:$0x1] =	vst.idx.msk $0xffff, v5;
	v5 =	vld.idx.msk [tilespmem:v1+s24+$0x250 ss:$0x1], $0xffff  }
0x48: {  	v58 =	vld.idx.msk [tilespmem:v1+s24+$0x260 ss:$0x1], $0xffff;
	[tilespmem:v3+s23+$0x810 ss:$0x1] =	vst.idx.msk $0xffff, v55  }
0x49: {  	v59 =	vld.idx.msk [tilespmem:v1+s24+$0x270 ss:$0x1], $0xffff;
	[tilespmem:v3+s23+$0x820 ss:$0x1] =	vst.idx.msk $0xffff, v56  }
0x4a: {  	v60 =	vld.idx.msk [tilespmem:v1+s24+$0x300 ss:$0x1], $0xffff;
	[tilespmem:v3+s23+$0x830 ss:$0x1] =	vst.idx.msk $0xffff, v57  }
0x4b: {  	[tilespmem:v3+s23+$0x840 ss:$0x1] =	vst.idx.msk $0xffff, v4;
	v4 =	vld.idx.msk [tilespmem:v1+s24+$0x310 ss:$0x1], $0xffff  }
0x4c: {  	[tilespmem:v3+s23+$0x850 ss:$0x1] =	vst.idx.msk $0xffff, v5;
	v5 =	vld.idx.msk [tilespmem:v1+s24+$0x320 ss:$0x1], $0xffff  }
0x4d: {  	v61 =	vld.idx.msk [tilespmem:v1+s24+$0x330 ss:$0x1], $0xffff;
	[tilespmem:v3+s23+$0x860 ss:$0x1] =	vst.idx.msk $0xffff, v58  }
0x4e: {  	v62 =	vld.idx.msk [tilespmem:v1+s24+$0x340 ss:$0x1], $0xffff;
	[tilespmem:v3+s23+$0x870 ss:$0x1] =	vst.idx.msk $0xffff, v59  }
0x4f: {  	v63 =	vld.idx.msk [tilespmem:v1+s24+$0x350 ss:$0x1], $0xffff;
	[tilespmem:v0+s25+$0xC00 ss:$0x1] =	vst.idx.msk $0xffff, v60  }
0x50: {  	[tilespmem:v3+s23+$0xC10 ss:$0x1] =	vst.idx.msk $0xffff, v4;
	v4 =	vld.idx.msk [tilespmem:v1+s24+$0x360 ss:$0x1], $0xffff  }
0x51: {  	p2 =	por p1, p1;
	[tilespmem:v3+s23+$0xC20 ss:$0x1] =	vst.idx.msk $0xffff, v5;
	v5 =	vld.idx.msk [tilespmem:v1+s24+$0x370 ss:$0x1], $0xffff  }
.Ltmp3:
0x52: {  	[tilespmem:v3+s23+$0xC30 ss:$0x1] =	vst.idx.msk $0xffff, v61;
	(pc) =	sbr.rel @p2 .LBB1_5-.Ltmp3, $4  }
0x53: {  	[tilespmem:v3+s23+$0xC40 ss:$0x1] =	vst.idx.msk $0xffff, v62  }
0x54: {  	[tilespmem:v3+s23+$0xC50 ss:$0x1] =	vst.idx.msk $0xffff, v63  }
0x55: {  	[tilespmem:v3+s23+$0xC60 ss:$0x1] =	vst.idx.msk $0xffff, v4  }
0x56: {  	p1 =	por $0x0, $0x0;
	[tilespmem:v3+s23+$0xC70 ss:$0x1] =	vst.idx.msk $0xffff, v5;
	s23 =	simm.s32 $0x200  }
.Ltmp4:
0x57: {  	(pc) =	sbr.rel @p0 .LBB1_4-.Ltmp4, $2  }
0x58: {  	_ =	sdelay $0x2  }
0x59: {  	s21 =	simm.s32 $0x1;
	p1 =	por $0x0, $0x0  }
0x5a: {  	s18 =	sadd.s32 $0x1, s18  }
0x5b: {  	p0 =	sne.s32 s18, $0x8  }
.Ltmp5:
0x5c: {  	_ = 	snop;
	(pc) =	sbr.rel @p0 .LBB1_3-.Ltmp5, $1  }
0x5d: {  	_ =	sdelay $0x3  }
0x5e: {  	s17 =	sand.u32 $0x78, s13  }
0x5f: {  	s18 =	sshll.u32 s15, $0xB;
	s29 =	sshll.u32 s15, $0x7;
	s19 =	sshll.u32 s13, $0x3  }
0x60: {  	s14 =	sshll.u32 s14, $0x14;
	s31 =	sand.u32 $0x7, s13;
	s18 =	sand.u32 $0x7FC000, s18  }
0x61: {  	s15 =	sand.u32 $0x380, s29;
	s18 =	sadd.s32 s18, s19;
	s19 =	sand.u32 $0x400, s19  }
.Ltmp6:
0x62: {  	s15 =	sor.u32 s15, s17;
	s30 =	sshrl.u32 s18, $0x3;
	(pc) =	sbr.rel .LBB1_9-.Ltmp6, $4  }
0x63: {  	s14 =	sadd.s32 s5, s14;
	s15 =	sor.u32 s19, s15;
	s17 =	sand.u32 $0xFFF00, s30  }
0x64: {  	s13 =	sshll.u32 s31, $0x12;
	s15 =	sshrl.u32 s15, $0x3;
	s14 =	sadd.s32 s17, s14  }
0x65: {  	s13 =	sor.u32 $0x2000, s13;
	s14 =	sadd.s32 s15, s14  }
0x66: {  	[hbm4b:s14+s13] =	stream.strided.scatter [tilespmem:s16], [sflag:$0x2], $0x4000, s8, s13, $0x38;
	[tilespmem:$0x10000] =	vst v63  }
.LBB1_10:
0x67: {  	_ =	sfence.sel $0x180000  }
0x68: {  	s2 =	simm.s32 $0x1;
	[bflag:$0x0] =	sbarrier.arrive $0xFFFF  }
0x69: {  	s31 =	simm.s32 $0x2;
	[sflag:s2] =	ssyncpa.u1 $0x1  }
0x6a: {  	[sflag:s31] =	ssyncpa.u1 $0x1  }
0x6b: {  	p0 =	sne.s32 s0, $0x0;
	_ =	strace $0x90000050  }
0x6c: {  	s0 =	sadd.s32 @!p0 $0x100000, s1;
	[bflag:$0x2] =	sbarrier.arrive $0xFFFF  }
0x6d: {  	[sflag:s0] =	ssyncadd.tile.s32 @!p0 $0x1;
	_ =	shalt  }
.Lfunc_end1:
_tile_overlayer_lowered:
.L_overlay_start_2:
0x6e: {  	(tag) =	ssettag $0x2  }
0x6f: {  	s0 =	rddreg [dreg:$0x0];
	s2 =	stileid.u32  }
0x70: {  	s1 =	rddreg [dreg:$0x1];
	p0 =	sne.s32 s2, $0x0  }
0x71: {  	s3 =	rddreg [dreg:$0x2];
	[bflag:$0x3] =	sbarrier.arrive $0xFFFF;
	s2 =	simm.s32 @!p0 $0x1C01  }
0x72: {  	[timem:s3], [sflag:s2] =	dma.local @!p0 [hbm:s0], s1  }
0x73: {  	s0 =	simm.s32 @!p0 $0x1  }
0x74: {  	_ =	swait.ge @!p0 [sflag:s0], s1  }
0x75: {  	s1 =	ssub.s32 @!p0 $0x0, s1;
	[sflag:s0] =	ssyncset.done @!p0 $0x0  }
0x76: {  	[sflag:s0] =	ssyncadd.s32 @!p0 s1  }
0x77: {  	[bflag:$0x3] =	sbarrier.arrive $0xFFFF  }
0x78: {  	_ =	shalt  }

</sc_bundles>
